<compile_context>
chip_gen: v7x
topology: tpu7x:2x2x1
jax: 0.10.2.dev20260603
libtpu: 0.0.44.dev20260713+nightly
codegen_flags: <defaults>
</compile_context>

<pallas_src>
import functools

import jax
import jax.numpy as jnp
from jax import lax
from jax.experimental import pallas as pl
from jax.experimental.pallas import tpu as pltpu
from jax.experimental.pallas import tpu_sc as plsc

BLK = 128


@functools.lru_cache(maxsize=None)
def _make_gather(B0, H, V, D):
    info = plsc.get_sparse_core_info()
    NC, NS, L = info.num_cores, info.num_subcores, info.num_lanes
    NW = NC * NS
    n_blk = B0 // BLK
    blk_per_w = n_blk // NW
    D_HI = D // 8
    mesh = plsc.VectorSubcoreMesh(core_axis_name="c", subcore_axis_name="s")

    @functools.partial(
        pl.kernel,
        mesh=mesh,
        compiler_params=pltpu.CompilerParams(
            use_tc_tiling_on_sc=False, needs_layout_passes=False),
        out_type=jax.ShapeDtypeStruct((H, D_HI, n_blk, 8, BLK), jnp.float32),
        scratch_types=[
            pltpu.VMEM((BLK * H,), jnp.int32),
            pltpu.VMEM((H * BLK,), jnp.int32),
            pltpu.VMEM((2, BLK, D), jnp.float32),
            pltpu.VMEM((D, BLK + 8), jnp.float32),
            pltpu.SemaphoreType.DMA((2,)),
        ],
    )
    def gather_kernel(idx_hbm, table_hbm, out_hbm, idx_v, idxt_v, rows_v,
                      t_v, gsem):
        wid = lax.axis_index("s") * NC + lax.axis_index("c")

        def fire(h, slot):
            pltpu.async_copy(
                table_hbm.at[idxt_v.at[pl.ds(h * BLK, BLK)]],
                rows_v.at[slot],
                gsem.at[slot],
            )

        def wait(h, slot):
            pltpu.make_async_copy(
                table_hbm.at[idxt_v.at[pl.ds(h * BLK, BLK)]],
                rows_v.at[slot],
                gsem.at[slot],
            ).wait()

        def do_block(blk, _):
            bhi = wid * blk_per_w + blk
            pltpu.sync_copy(idx_hbm.at[pl.ds(bhi * (BLK * H), BLK * H)],
                            idx_v)

            def idx_t(g, _):
                h = g // (BLK // L)
                k = g - h * (BLK // L)
                iota_h = lax.iota(jnp.int32, L) * H
                src = plsc.load_gather(idx_v, [iota_h + (k * (L * H) + h)])
                idxt_v[pl.ds(g * L, L)] = src
                return ()

            lax.fori_loop(0, H * (BLK // L), idx_t, (), unroll=8)

            fire(0, 0)

            def do_h(h, _):
                slot = lax.rem(h, 2)

                @pl.when(h + 1 < H)
                def _():
                    fire(h + 1, lax.rem(h + 1, 2))

                wait(h, slot)

                def row_t(q, _):
                    b = q // (D // L)
                    d0 = lax.rem(q, D // L) * L
                    iota = lax.iota(jnp.int32, L)
                    src = rows_v[slot, b, pl.ds(d0, L)]
                    plsc.store_scatter(t_v, [iota + d0, iota * 0 + b], src)
                    return ()

                lax.fori_loop(0, BLK * (D // L), row_t, (), unroll=8)

                for d_hi in range(D_HI):
                    pltpu.sync_copy(t_v.at[pl.ds(8 * d_hi, 8), pl.ds(0, BLK)],
                                    out_hbm.at[h, d_hi, bhi])
                return ()

            lax.fori_loop(0, H, do_h, (), unroll=False)
            return ()

        lax.fori_loop(0, blk_per_w, do_block, (), unroll=False)

    return gather_kernel


def kernel(input_, table_ids):
    B0, H = input_.shape
    V, D = table_ids.shape
    idx = input_.astype(jnp.int32).reshape(B0 * H)
    out5 = _make_gather(B0, H, V, D)(idx, table_ids)
    return out5.transpose(2, 4, 0, 1, 3).reshape(B0, H, D)

# --- scband reference (transcript-rebuilt; emitter-appended) ---
"""Pipeline reference for scband-multi-embedding-3075196584440 (READ-ONLY COPY).

The authoritative reference and input builder live on the scoring server;
editing this copy changes nothing except your own understanding.
"""

import jax, jax.numpy as jnp
import numpy as np

VOCAB = 1000000
EMBED_DIM = 32
BATCH = 16384
HIST_LEN = 50

def setup_inputs(seed: int = 0) -> dict:
    key = jax.random.key(seed)
    k_idx, k_tab = jax.random.split(key)
    input_ = jax.random.randint(k_idx, (BATCH, HIST_LEN), 0, VOCAB, dtype=jnp.int64 if jax.config.jax_enable_x64 else jnp.int32)
    table_ids = jax.random.normal(k_tab, (VOCAB, EMBED_DIM), dtype=jnp.float32)
    return {"input_": input_, "table_ids": table_ids}

def reference(input_, table_ids):
    # MultiEmbedding.forward(input_, name='ids') -> getattr(self, 'ids')(input_)
    # nn.Embedding lookup == gather rows from the table
    return jnp.take(table_ids, input_, axis=0)

if __name__ == "__main__":
    import jax
    _d = setup_inputs()
    print(jax.jit(kernel)(*tuple(_d.values())))

</pallas_src>

<mosaic_0001>
#map = affine_map<(d0, d1) -> (0)>
#map1 = affine_map<(d0, d1) -> (0, 0)>
#map2 = affine_map<(d0, d1) -> (0, 0, 0, 0, 0)>
module attributes {stable_mosaic.version = 14 : i64} {
  func.func @gather_kernel(%arg0: i32, %arg1: i32, %arg2: memref<819200xi32, #tpu.memory_space<hbm>>, %arg3: memref<1000000x32xf32, #tpu.memory_space<hbm>>, %arg4: memref<50x4x128x8x128xf32, #tpu.memory_space<hbm>>, %arg5: memref<6400xi32, #tpu.memory_space<vmem>>, %arg6: memref<6400xi32, #tpu.memory_space<vmem>>, %arg7: memref<2x128x32xf32, #tpu.memory_space<vmem>>, %arg8: memref<32x136xf32, #tpu.memory_space<vmem>>, %arg9: memref<2x!tpu.dma_semaphore, #tpu.memory_space<semaphore_mem>>) attributes {dimension_semantics = [#tpu.dimension_semantics<core_parallel>, #tpu.dimension_semantics<subcore_parallel>], iteration_bounds = array<i64: 2, 16>, scalar_prefetch = 0 : i64, scratch_operands = 5 : i64, tpu.core_type = #tpu.core_type<sc_vector_subcore>, window_params = [{transform_indices = #map}, {transform_indices = #map1}, {transform_indices = #map2}]} {
    %mul3A = arith.constant 2 : i32
    %mul3A_0 = arith.muli %arg1, %mul3A : i32
    %add3A = arith.addi %mul3A_0, %arg0 : i32
    %scan3A = arith.constant 0 : i32
    %scan3A_1 = arith.constant 4 : i32
    %scan3A_2 = arith.addi %scan3A, %scan3A_1 : i32
    %scan3A_3 = arith.constant 1 : i32
    scf.for %scan3A_5 = %scan3A to %scan3A_2 step %scan3A_3  : i32 {
      %mul3A_6 = arith.constant 4 : i32
      %mul3A_7 = arith.muli %add3A, %mul3A_6 : i32
      %add3A_8 = arith.addi %mul3A_7, %scan3A_5 : i32
      %mul3A_9 = arith.constant 6400 : i32
      %mul3A_10 = arith.muli %add3A_8, %mul3A_9 : i32
      "tpu.region"() ({
        %run_scoped3A = tpu.sem_alloc : memref<!tpu.dma_semaphore, #tpu.memory_space<semaphore_mem>>
        %dma_start3A_33 = tpu.memref_slice %arg2[%mul3A_10] : memref<819200xi32, #tpu.memory_space<hbm>> -> memref<6400xi32, #tpu.memory_space<hbm>>
        %dma_start3A_34 = tpu.memref_slice %arg2[%mul3A_10] : memref<819200xi32, #tpu.memory_space<hbm>> -> memref<6400xi32, #tpu.memory_space<hbm>>
        tpu.enqueue_dma source(%dma_start3A_34 : memref<6400xi32, #tpu.memory_space<hbm>>) target(%arg5 : memref<6400xi32, #tpu.memory_space<vmem>>) target_semaphore(%run_scoped3A : memref<!tpu.dma_semaphore, #tpu.memory_space<semaphore_mem>>)
        %dma_wait3A = tpu.memref_slice %arg2[%mul3A_10] : memref<819200xi32, #tpu.memory_space<hbm>> -> memref<6400xi32, #tpu.memory_space<hbm>>
        %dma_wait3A_35 = tpu.memref_slice %arg2[%mul3A_10] : memref<819200xi32, #tpu.memory_space<hbm>> -> memref<6400xi32, #tpu.memory_space<hbm>>
        tpu.wait_dma2 semaphore(%run_scoped3A : memref<!tpu.dma_semaphore, #tpu.memory_space<semaphore_mem>>) src(%dma_wait3A_35 : memref<6400xi32, #tpu.memory_space<hbm>>) dst(%arg5 : memref<6400xi32, #tpu.memory_space<vmem>>)
        tpu.yield
      }) : () -> ()
      %scan3A_11 = arith.constant 0 : i32
      %scan3A_12 = arith.constant 400 : i32
      %scan3A_13 = arith.addi %scan3A_11, %scan3A_12 : i32
      %scan3A_14 = arith.constant 8 : i32
      scf.for %scan3A_33 = %scan3A_11 to %scan3A_13 step %scan3A_14  : i32 {
        %jit3A = arith.constant 8 : i32
        %div3A = arith.divsi %scan3A_33, %jit3A : i32
        %sign3A = arith.constant 0 : i32
        %sign3A_34 = arith.cmpi sgt, %scan3A_33, %sign3A : i32
        %sign3A_35 = arith.extui %sign3A_34 : i1 to i32
        %sign3A_36 = arith.constant 0 : i32
        %sign3A_37 = arith.cmpi slt, %scan3A_33, %sign3A_36 : i32
        %sign3A_38 = arith.extui %sign3A_37 : i1 to i32
        %sign3A_39 = arith.subi %sign3A_35, %sign3A_38 : i32
        %sign3A_40 = arith.constant 0 : i32
        %sign3A_41 = arith.cmpi sgt, %jit3A, %sign3A_40 : i32
        %sign3A_42 = arith.extui %sign3A_41 : i1 to i32
        %sign3A_43 = arith.constant 0 : i32
        %sign3A_44 = arith.cmpi slt, %jit3A, %sign3A_43 : i32
        %sign3A_45 = arith.extui %sign3A_44 : i1 to i32
        %sign3A_46 = arith.subi %sign3A_42, %sign3A_45 : i32
        %ne3A = arith.cmpi ne, %sign3A_39, %sign3A_46 : i32
        %rem3A = arith.remsi %scan3A_33, %jit3A : i32
        %ne3A_47 = arith.constant 0 : i32
        %ne3A_48 = arith.cmpi ne, %rem3A, %ne3A_47 : i32
        %and3A = arith.andi %ne3A, %ne3A_48 : i1
        %sub3A = arith.constant 1 : i32
        %sub3A_49 = arith.subi %div3A, %sub3A : i32
        %select_n3A = arith.select %and3A, %sub3A_49, %div3A : i32
        %mul3A_50 = arith.constant 8 : i32
        %mul3A_51 = arith.muli %select_n3A, %mul3A_50 : i32
        %sub3A_52 = arith.subi %scan3A_33, %mul3A_51 : i32
        %iota3A = tpu.iota {dimensions = array<i32: 0>} : vector<16xi32>
        %mul3A_53 = arith.constant 50 : i32
        %mul3A_54 = vector.broadcast %mul3A_53 : i32 to vector<16xi32>
        %mul3A_55 = arith.muli %iota3A, %mul3A_54 : vector<16xi32>
        %mul3A_56 = arith.constant 800 : i32
        %mul3A_57 = arith.muli %sub3A_52, %mul3A_56 : i32
        %add3A_58 = arith.addi %mul3A_57, %select_n3A : i32
        %add3A_59 = vector.broadcast %add3A_58 : i32 to vector<16xi32>
        %add3A_60 = arith.addi %mul3A_55, %add3A_59 : vector<16xi32>
        %gather3A = tpu.vector_load_idx %arg5[%add3A_60] : memref<6400xi32, #tpu.memory_space<vmem>>[vector<16xi32>], vector<16xi32>,
        %mul3A_61 = arith.constant 16 : i32
        %mul3A_62 = arith.muli %scan3A_33, %mul3A_61 : i32
        %swap3A = arith.index_cast %mul3A_62 : i32 to index
        %swap3A_63 = tpu.vector_load %arg6[%swap3A] {strides = array<i32>} : memref<6400xi32, #tpu.memory_space<vmem>>, vector<16xi32>,
        tpu.vector_store %arg6[%swap3A], %gather3A {strides = array<i32>} : memref<6400xi32, #tpu.memory_space<vmem>>, vector<16xi32>,
        %scan3A_64 = arith.constant 1 : i32
        %scan3A_65 = arith.addi %scan3A_33, %scan3A_64 : i32
        %jit3A_66 = arith.constant 8 : i32
        %div3A_67 = arith.divsi %scan3A_65, %jit3A_66 : i32
        %sign3A_68 = arith.constant 0 : i32
        %sign3A_69 = arith.cmpi sgt, %scan3A_65, %sign3A_68 : i32
        %sign3A_70 = arith.extui %sign3A_69 : i1 to i32
        %sign3A_71 = arith.constant 0 : i32
        %sign3A_72 = arith.cmpi slt, %scan3A_65, %sign3A_71 : i32
        %sign3A_73 = arith.extui %sign3A_72 : i1 to i32
        %sign3A_74 = arith.subi %sign3A_70, %sign3A_73 : i32
        %sign3A_75 = arith.constant 0 : i32
        %sign3A_76 = arith.cmpi sgt, %jit3A_66, %sign3A_75 : i32
        %sign3A_77 = arith.extui %sign3A_76 : i1 to i32
        %sign3A_78 = arith.constant 0 : i32
        %sign3A_79 = arith.cmpi slt, %jit3A_66, %sign3A_78 : i32
        %sign3A_80 = arith.extui %sign3A_79 : i1 to i32
        %sign3A_81 = arith.subi %sign3A_77, %sign3A_80 : i32
        %ne3A_82 = arith.cmpi ne, %sign3A_74, %sign3A_81 : i32
        %rem3A_83 = arith.remsi %scan3A_65, %jit3A_66 : i32
        %ne3A_84 = arith.constant 0 : i32
        %ne3A_85 = arith.cmpi ne, %rem3A_83, %ne3A_84 : i32
        %and3A_86 = arith.andi %ne3A_82, %ne3A_85 : i1
        %sub3A_87 = arith.constant 1 : i32
        %sub3A_88 = arith.subi %div3A_67, %sub3A_87 : i32
        %select_n3A_89 = arith.select %and3A_86, %sub3A_88, %div3A_67 : i32
        %mul3A_90 = arith.constant 8 : i32
        %mul3A_91 = arith.muli %select_n3A_89, %mul3A_90 : i32
        %sub3A_92 = arith.subi %scan3A_65, %mul3A_91 : i32
        %iota3A_93 = tpu.iota {dimensions = array<i32: 0>} : vector<16xi32>
        %mul3A_94 = arith.constant 50 : i32
        %mul3A_95 = vector.broadcast %mul3A_94 : i32 to vector<16xi32>
        %mul3A_96 = arith.muli %iota3A_93, %mul3A_95 : vector<16xi32>
        %mul3A_97 = arith.constant 800 : i32
        %mul3A_98 = arith.muli %sub3A_92, %mul3A_97 : i32
        %add3A_99 = arith.addi %mul3A_98, %select_n3A_89 : i32
        %add3A_100 = vector.broadcast %add3A_99 : i32 to vector<16xi32>
        %add3A_101 = arith.addi %mul3A_96, %add3A_100 : vector<16xi32>
        %gather3A_102 = tpu.vector_load_idx %arg5[%add3A_101] : memref<6400xi32, #tpu.memory_space<vmem>>[vector<16xi32>], vector<16xi32>,
        %mul3A_103 = arith.constant 16 : i32
        %mul3A_104 = arith.muli %scan3A_65, %mul3A_103 : i32
        %swap3A_105 = arith.index_cast %mul3A_104 : i32 to index
        %swap3A_106 = tpu.vector_load %arg6[%swap3A_105] {strides = array<i32>} : memref<6400xi32, #tpu.memory_space<vmem>>, vector<16xi32>,
        tpu.vector_store %arg6[%swap3A_105], %gather3A_102 {strides = array<i32>} : memref<6400xi32, #tpu.memory_space<vmem>>, vector<16xi32>,
        %scan3A_107 = arith.constant 2 : i32
        %scan3A_108 = arith.addi %scan3A_33, %scan3A_107 : i32
        %jit3A_109 = arith.constant 8 : i32
        %div3A_110 = arith.divsi %scan3A_108, %jit3A_109 : i32
        %sign3A_111 = arith.constant 0 : i32
        %sign3A_112 = arith.cmpi sgt, %scan3A_108, %sign3A_111 : i32
        %sign3A_113 = arith.extui %sign3A_112 : i1 to i32
        %sign3A_114 = arith.constant 0 : i32
        %sign3A_115 = arith.cmpi slt, %scan3A_108, %sign3A_114 : i32
        %sign3A_116 = arith.extui %sign3A_115 : i1 to i32
        %sign3A_117 = arith.subi %sign3A_113, %sign3A_116 : i32
        %sign3A_118 = arith.constant 0 : i32
        %sign3A_119 = arith.cmpi sgt, %jit3A_109, %sign3A_118 : i32
        %sign3A_120 = arith.extui %sign3A_119 : i1 to i32
        %sign3A_121 = arith.constant 0 : i32
        %sign3A_122 = arith.cmpi slt, %jit3A_109, %sign3A_121 : i32
        %sign3A_123 = arith.extui %sign3A_122 : i1 to i32
        %sign3A_124 = arith.subi %sign3A_120, %sign3A_123 : i32
        %ne3A_125 = arith.cmpi ne, %sign3A_117, %sign3A_124 : i32
        %rem3A_126 = arith.remsi %scan3A_108, %jit3A_109 : i32
        %ne3A_127 = arith.constant 0 : i32
        %ne3A_128 = arith.cmpi ne, %rem3A_126, %ne3A_127 : i32
        %and3A_129 = arith.andi %ne3A_125, %ne3A_128 : i1
        %sub3A_130 = arith.constant 1 : i32
        %sub3A_131 = arith.subi %div3A_110, %sub3A_130 : i32
        %select_n3A_132 = arith.select %and3A_129, %sub3A_131, %div3A_110 : i32
        %mul3A_133 = arith.constant 8 : i32
        %mul3A_134 = arith.muli %select_n3A_132, %mul3A_133 : i32
        %sub3A_135 = arith.subi %scan3A_108, %mul3A_134 : i32
        %iota3A_136 = tpu.iota {dimensions = array<i32: 0>} : vector<16xi32>
        %mul3A_137 = arith.constant 50 : i32
        %mul3A_138 = vector.broadcast %mul3A_137 : i32 to vector<16xi32>
        %mul3A_139 = arith.muli %iota3A_136, %mul3A_138 : vector<16xi32>
        %mul3A_140 = arith.constant 800 : i32
        %mul3A_141 = arith.muli %sub3A_135, %mul3A_140 : i32
        %add3A_142 = arith.addi %mul3A_141, %select_n3A_132 : i32
        %add3A_143 = vector.broadcast %add3A_142 : i32 to vector<16xi32>
        %add3A_144 = arith.addi %mul3A_139, %add3A_143 : vector<16xi32>
        %gather3A_145 = tpu.vector_load_idx %arg5[%add3A_144] : memref<6400xi32, #tpu.memory_space<vmem>>[vector<16xi32>], vector<16xi32>,
        %mul3A_146 = arith.constant 16 : i32
        %mul3A_147 = arith.muli %scan3A_108, %mul3A_146 : i32
        %swap3A_148 = arith.index_cast %mul3A_147 : i32 to index
        %swap3A_149 = tpu.vector_load %arg6[%swap3A_148] {strides = array<i32>} : memref<6400xi32, #tpu.memory_space<vmem>>, vector<16xi32>,
        tpu.vector_store %arg6[%swap3A_148], %gather3A_145 {strides = array<i32>} : memref<6400xi32, #tpu.memory_space<vmem>>, vector<16xi32>,
        %scan3A_150 = arith.constant 3 : i32
        %scan3A_151 = arith.addi %scan3A_33, %scan3A_150 : i32
        %jit3A_152 = arith.constant 8 : i32
        %div3A_153 = arith.divsi %scan3A_151, %jit3A_152 : i32
        %sign3A_154 = arith.constant 0 : i32
        %sign3A_155 = arith.cmpi sgt, %scan3A_151, %sign3A_154 : i32
        %sign3A_156 = arith.extui %sign3A_155 : i1 to i32
        %sign3A_157 = arith.constant 0 : i32
        %sign3A_158 = arith.cmpi slt, %scan3A_151, %sign3A_157 : i32
        %sign3A_159 = arith.extui %sign3A_158 : i1 to i32
        %sign3A_160 = arith.subi %sign3A_156, %sign3A_159 : i32
        %sign3A_161 = arith.constant 0 : i32
        %sign3A_162 = arith.cmpi sgt, %jit3A_152, %sign3A_161 : i32
        %sign3A_163 = arith.extui %sign3A_162 : i1 to i32
        %sign3A_164 = arith.constant 0 : i32
        %sign3A_165 = arith.cmpi slt, %jit3A_152, %sign3A_164 : i32
        %sign3A_166 = arith.extui %sign3A_165 : i1 to i32
        %sign3A_167 = arith.subi %sign3A_163, %sign3A_166 : i32
        %ne3A_168 = arith.cmpi ne, %sign3A_160, %sign3A_167 : i32
        %rem3A_169 = arith.remsi %scan3A_151, %jit3A_152 : i32
        %ne3A_170 = arith.constant 0 : i32
        %ne3A_171 = arith.cmpi ne, %rem3A_169, %ne3A_170 : i32
        %and3A_172 = arith.andi %ne3A_168, %ne3A_171 : i1
        %sub3A_173 = arith.constant 1 : i32
        %sub3A_174 = arith.subi %div3A_153, %sub3A_173 : i32
        %select_n3A_175 = arith.select %and3A_172, %sub3A_174, %div3A_153 : i32
        %mul3A_176 = arith.constant 8 : i32
        %mul3A_177 = arith.muli %select_n3A_175, %mul3A_176 : i32
        %sub3A_178 = arith.subi %scan3A_151, %mul3A_177 : i32
        %iota3A_179 = tpu.iota {dimensions = array<i32: 0>} : vector<16xi32>
        %mul3A_180 = arith.constant 50 : i32
        %mul3A_181 = vector.broadcast %mul3A_180 : i32 to vector<16xi32>
        %mul3A_182 = arith.muli %iota3A_179, %mul3A_181 : vector<16xi32>
        %mul3A_183 = arith.constant 800 : i32
        %mul3A_184 = arith.muli %sub3A_178, %mul3A_183 : i32
        %add3A_185 = arith.addi %mul3A_184, %select_n3A_175 : i32
        %add3A_186 = vector.broadcast %add3A_185 : i32 to vector<16xi32>
        %add3A_187 = arith.addi %mul3A_182, %add3A_186 : vector<16xi32>
        %gather3A_188 = tpu.vector_load_idx %arg5[%add3A_187] : memref<6400xi32, #tpu.memory_space<vmem>>[vector<16xi32>], vector<16xi32>,
        %mul3A_189 = arith.constant 16 : i32
        %mul3A_190 = arith.muli %scan3A_151, %mul3A_189 : i32
        %swap3A_191 = arith.index_cast %mul3A_190 : i32 to index
        %swap3A_192 = tpu.vector_load %arg6[%swap3A_191] {strides = array<i32>} : memref<6400xi32, #tpu.memory_space<vmem>>, vector<16xi32>,
        tpu.vector_store %arg6[%swap3A_191], %gather3A_188 {strides = array<i32>} : memref<6400xi32, #tpu.memory_space<vmem>>, vector<16xi32>,
        %scan3A_193 = arith.constant 4 : i32
        %scan3A_194 = arith.addi %scan3A_33, %scan3A_193 : i32
        %jit3A_195 = arith.constant 8 : i32
        %div3A_196 = arith.divsi %scan3A_194, %jit3A_195 : i32
        %sign3A_197 = arith.constant 0 : i32
        %sign3A_198 = arith.cmpi sgt, %scan3A_194, %sign3A_197 : i32
        %sign3A_199 = arith.extui %sign3A_198 : i1 to i32
        %sign3A_200 = arith.constant 0 : i32
        %sign3A_201 = arith.cmpi slt, %scan3A_194, %sign3A_200 : i32
        %sign3A_202 = arith.extui %sign3A_201 : i1 to i32
        %sign3A_203 = arith.subi %sign3A_199, %sign3A_202 : i32
        %sign3A_204 = arith.constant 0 : i32
        %sign3A_205 = arith.cmpi sgt, %jit3A_195, %sign3A_204 : i32
        %sign3A_206 = arith.extui %sign3A_205 : i1 to i32
        %sign3A_207 = arith.constant 0 : i32
        %sign3A_208 = arith.cmpi slt, %jit3A_195, %sign3A_207 : i32
        %sign3A_209 = arith.extui %sign3A_208 : i1 to i32
        %sign3A_210 = arith.subi %sign3A_206, %sign3A_209 : i32
        %ne3A_211 = arith.cmpi ne, %sign3A_203, %sign3A_210 : i32
        %rem3A_212 = arith.remsi %scan3A_194, %jit3A_195 : i32
        %ne3A_213 = arith.constant 0 : i32
        %ne3A_214 = arith.cmpi ne, %rem3A_212, %ne3A_213 : i32
        %and3A_215 = arith.andi %ne3A_211, %ne3A_214 : i1
        %sub3A_216 = arith.constant 1 : i32
        %sub3A_217 = arith.subi %div3A_196, %sub3A_216 : i32
        %select_n3A_218 = arith.select %and3A_215, %sub3A_217, %div3A_196 : i32
        %mul3A_219 = arith.constant 8 : i32
        %mul3A_220 = arith.muli %select_n3A_218, %mul3A_219 : i32
        %sub3A_221 = arith.subi %scan3A_194, %mul3A_220 : i32
        %iota3A_222 = tpu.iota {dimensions = array<i32: 0>} : vector<16xi32>
        %mul3A_223 = arith.constant 50 : i32
        %mul3A_224 = vector.broadcast %mul3A_223 : i32 to vector<16xi32>
        %mul3A_225 = arith.muli %iota3A_222, %mul3A_224 : vector<16xi32>
        %mul3A_226 = arith.constant 800 : i32
        %mul3A_227 = arith.muli %sub3A_221, %mul3A_226 : i32
        %add3A_228 = arith.addi %mul3A_227, %select_n3A_218 : i32
        %add3A_229 = vector.broadcast %add3A_228 : i32 to vector<16xi32>
        %add3A_230 = arith.addi %mul3A_225, %add3A_229 : vector<16xi32>
        %gather3A_231 = tpu.vector_load_idx %arg5[%add3A_230] : memref<6400xi32, #tpu.memory_space<vmem>>[vector<16xi32>], vector<16xi32>,
        %mul3A_232 = arith.constant 16 : i32
        %mul3A_233 = arith.muli %scan3A_194, %mul3A_232 : i32
        %swap3A_234 = arith.index_cast %mul3A_233 : i32 to index
        %swap3A_235 = tpu.vector_load %arg6[%swap3A_234] {strides = array<i32>} : memref<6400xi32, #tpu.memory_space<vmem>>, vector<16xi32>,
        tpu.vector_store %arg6[%swap3A_234], %gather3A_231 {strides = array<i32>} : memref<6400xi32, #tpu.memory_space<vmem>>, vector<16xi32>,
        %scan3A_236 = arith.constant 5 : i32
        %scan3A_237 = arith.addi %scan3A_33, %scan3A_236 : i32
        %jit3A_238 = arith.constant 8 : i32
        %div3A_239 = arith.divsi %scan3A_237, %jit3A_238 : i32
        %sign3A_240 = arith.constant 0 : i32
        %sign3A_241 = arith.cmpi sgt, %scan3A_237, %sign3A_240 : i32
        %sign3A_242 = arith.extui %sign3A_241 : i1 to i32
        %sign3A_243 = arith.constant 0 : i32
        %sign3A_244 = arith.cmpi slt, %scan3A_237, %sign3A_243 : i32
        %sign3A_245 = arith.extui %sign3A_244 : i1 to i32
        %sign3A_246 = arith.subi %sign3A_242, %sign3A_245 : i32
        %sign3A_247 = arith.constant 0 : i32
        %sign3A_248 = arith.cmpi sgt, %jit3A_238, %sign3A_247 : i32
        %sign3A_249 = arith.extui %sign3A_248 : i1 to i32
        %sign3A_250 = arith.constant 0 : i32
        %sign3A_251 = arith.cmpi slt, %jit3A_238, %sign3A_250 : i32
        %sign3A_252 = arith.extui %sign3A_251 : i1 to i32
        %sign3A_253 = arith.subi %sign3A_249, %sign3A_252 : i32
        %ne3A_254 = arith.cmpi ne, %sign3A_246, %sign3A_253 : i32
        %rem3A_255 = arith.remsi %scan3A_237, %jit3A_238 : i32
        %ne3A_256 = arith.constant 0 : i32
        %ne3A_257 = arith.cmpi ne, %rem3A_255, %ne3A_256 : i32
        %and3A_258 = arith.andi %ne3A_254, %ne3A_257 : i1
        %sub3A_259 = arith.constant 1 : i32
        %sub3A_260 = arith.subi %div3A_239, %sub3A_259 : i32
        %select_n3A_261 = arith.select %and3A_258, %sub3A_260, %div3A_239 : i32
        %mul3A_262 = arith.constant 8 : i32
        %mul3A_263 = arith.muli %select_n3A_261, %mul3A_262 : i32
        %sub3A_264 = arith.subi %scan3A_237, %mul3A_263 : i32
        %iota3A_265 = tpu.iota {dimensions = array<i32: 0>} : vector<16xi32>
        %mul3A_266 = arith.constant 50 : i32
        %mul3A_267 = vector.broadcast %mul3A_266 : i32 to vector<16xi32>
        %mul3A_268 = arith.muli %iota3A_265, %mul3A_267 : vector<16xi32>
        %mul3A_269 = arith.constant 800 : i32
        %mul3A_270 = arith.muli %sub3A_264, %mul3A_269 : i32
        %add3A_271 = arith.addi %mul3A_270, %select_n3A_261 : i32
        %add3A_272 = vector.broadcast %add3A_271 : i32 to vector<16xi32>
        %add3A_273 = arith.addi %mul3A_268, %add3A_272 : vector<16xi32>
        %gather3A_274 = tpu.vector_load_idx %arg5[%add3A_273] : memref<6400xi32, #tpu.memory_space<vmem>>[vector<16xi32>], vector<16xi32>,
        %mul3A_275 = arith.constant 16 : i32
        %mul3A_276 = arith.muli %scan3A_237, %mul3A_275 : i32
        %swap3A_277 = arith.index_cast %mul3A_276 : i32 to index
        %swap3A_278 = tpu.vector_load %arg6[%swap3A_277] {strides = array<i32>} : memref<6400xi32, #tpu.memory_space<vmem>>, vector<16xi32>,
        tpu.vector_store %arg6[%swap3A_277], %gather3A_274 {strides = array<i32>} : memref<6400xi32, #tpu.memory_space<vmem>>, vector<16xi32>,
        %scan3A_279 = arith.constant 6 : i32
        %scan3A_280 = arith.addi %scan3A_33, %scan3A_279 : i32
        %jit3A_281 = arith.constant 8 : i32
        %div3A_282 = arith.divsi %scan3A_280, %jit3A_281 : i32
        %sign3A_283 = arith.constant 0 : i32
        %sign3A_284 = arith.cmpi sgt, %scan3A_280, %sign3A_283 : i32
        %sign3A_285 = arith.extui %sign3A_284 : i1 to i32
        %sign3A_286 = arith.constant 0 : i32
        %sign3A_287 = arith.cmpi slt, %scan3A_280, %sign3A_286 : i32
        %sign3A_288 = arith.extui %sign3A_287 : i1 to i32
        %sign3A_289 = arith.subi %sign3A_285, %sign3A_288 : i32
        %sign3A_290 = arith.constant 0 : i32
        %sign3A_291 = arith.cmpi sgt, %jit3A_281, %sign3A_290 : i32
        %sign3A_292 = arith.extui %sign3A_291 : i1 to i32
        %sign3A_293 = arith.constant 0 : i32
        %sign3A_294 = arith.cmpi slt, %jit3A_281, %sign3A_293 : i32
        %sign3A_295 = arith.extui %sign3A_294 : i1 to i32
        %sign3A_296 = arith.subi %sign3A_292, %sign3A_295 : i32
        %ne3A_297 = arith.cmpi ne, %sign3A_289, %sign3A_296 : i32
        %rem3A_298 = arith.remsi %scan3A_280, %jit3A_281 : i32
        %ne3A_299 = arith.constant 0 : i32
        %ne3A_300 = arith.cmpi ne, %rem3A_298, %ne3A_299 : i32
        %and3A_301 = arith.andi %ne3A_297, %ne3A_300 : i1
        %sub3A_302 = arith.constant 1 : i32
        %sub3A_303 = arith.subi %div3A_282, %sub3A_302 : i32
        %select_n3A_304 = arith.select %and3A_301, %sub3A_303, %div3A_282 : i32
        %mul3A_305 = arith.constant 8 : i32
        %mul3A_306 = arith.muli %select_n3A_304, %mul3A_305 : i32
        %sub3A_307 = arith.subi %scan3A_280, %mul3A_306 : i32
        %iota3A_308 = tpu.iota {dimensions = array<i32: 0>} : vector<16xi32>
        %mul3A_309 = arith.constant 50 : i32
        %mul3A_310 = vector.broadcast %mul3A_309 : i32 to vector<16xi32>
        %mul3A_311 = arith.muli %iota3A_308, %mul3A_310 : vector<16xi32>
        %mul3A_312 = arith.constant 800 : i32
        %mul3A_313 = arith.muli %sub3A_307, %mul3A_312 : i32
        %add3A_314 = arith.addi %mul3A_313, %select_n3A_304 : i32
        %add3A_315 = vector.broadcast %add3A_314 : i32 to vector<16xi32>
        %add3A_316 = arith.addi %mul3A_311, %add3A_315 : vector<16xi32>
        %gather3A_317 = tpu.vector_load_idx %arg5[%add3A_316] : memref<6400xi32, #tpu.memory_space<vmem>>[vector<16xi32>], vector<16xi32>,
        %mul3A_318 = arith.constant 16 : i32
        %mul3A_319 = arith.muli %scan3A_280, %mul3A_318 : i32
        %swap3A_320 = arith.index_cast %mul3A_319 : i32 to index
        %swap3A_321 = tpu.vector_load %arg6[%swap3A_320] {strides = array<i32>} : memref<6400xi32, #tpu.memory_space<vmem>>, vector<16xi32>,
        tpu.vector_store %arg6[%swap3A_320], %gather3A_317 {strides = array<i32>} : memref<6400xi32, #tpu.memory_space<vmem>>, vector<16xi32>,
        %scan3A_322 = arith.constant 7 : i32
        %scan3A_323 = arith.addi %scan3A_33, %scan3A_322 : i32
        %jit3A_324 = arith.constant 8 : i32
        %div3A_325 = arith.divsi %scan3A_323, %jit3A_324 : i32
        %sign3A_326 = arith.constant 0 : i32
        %sign3A_327 = arith.cmpi sgt, %scan3A_323, %sign3A_326 : i32
        %sign3A_328 = arith.extui %sign3A_327 : i1 to i32
        %sign3A_329 = arith.constant 0 : i32
        %sign3A_330 = arith.cmpi slt, %scan3A_323, %sign3A_329 : i32
        %sign3A_331 = arith.extui %sign3A_330 : i1 to i32
        %sign3A_332 = arith.subi %sign3A_328, %sign3A_331 : i32
        %sign3A_333 = arith.constant 0 : i32
        %sign3A_334 = arith.cmpi sgt, %jit3A_324, %sign3A_333 : i32
        %sign3A_335 = arith.extui %sign3A_334 : i1 to i32
        %sign3A_336 = arith.constant 0 : i32
        %sign3A_337 = arith.cmpi slt, %jit3A_324, %sign3A_336 : i32
        %sign3A_338 = arith.extui %sign3A_337 : i1 to i32
        %sign3A_339 = arith.subi %sign3A_335, %sign3A_338 : i32
        %ne3A_340 = arith.cmpi ne, %sign3A_332, %sign3A_339 : i32
        %rem3A_341 = arith.remsi %scan3A_323, %jit3A_324 : i32
        %ne3A_342 = arith.constant 0 : i32
        %ne3A_343 = arith.cmpi ne, %rem3A_341, %ne3A_342 : i32
        %and3A_344 = arith.andi %ne3A_340, %ne3A_343 : i1
        %sub3A_345 = arith.constant 1 : i32
        %sub3A_346 = arith.subi %div3A_325, %sub3A_345 : i32
        %select_n3A_347 = arith.select %and3A_344, %sub3A_346, %div3A_325 : i32
        %mul3A_348 = arith.constant 8 : i32
        %mul3A_349 = arith.muli %select_n3A_347, %mul3A_348 : i32
        %sub3A_350 = arith.subi %scan3A_323, %mul3A_349 : i32
        %iota3A_351 = tpu.iota {dimensions = array<i32: 0>} : vector<16xi32>
        %mul3A_352 = arith.constant 50 : i32
        %mul3A_353 = vector.broadcast %mul3A_352 : i32 to vector<16xi32>
        %mul3A_354 = arith.muli %iota3A_351, %mul3A_353 : vector<16xi32>
        %mul3A_355 = arith.constant 800 : i32
        %mul3A_356 = arith.muli %sub3A_350, %mul3A_355 : i32
        %add3A_357 = arith.addi %mul3A_356, %select_n3A_347 : i32
        %add3A_358 = vector.broadcast %add3A_357 : i32 to vector<16xi32>
        %add3A_359 = arith.addi %mul3A_354, %add3A_358 : vector<16xi32>
        %gather3A_360 = tpu.vector_load_idx %arg5[%add3A_359] : memref<6400xi32, #tpu.memory_space<vmem>>[vector<16xi32>], vector<16xi32>,
        %mul3A_361 = arith.constant 16 : i32
        %mul3A_362 = arith.muli %scan3A_323, %mul3A_361 : i32
        %swap3A_363 = arith.index_cast %mul3A_362 : i32 to index
        %swap3A_364 = tpu.vector_load %arg6[%swap3A_363] {strides = array<i32>} : memref<6400xi32, #tpu.memory_space<vmem>>, vector<16xi32>,
        tpu.vector_store %arg6[%swap3A_363], %gather3A_360 {strides = array<i32>} : memref<6400xi32, #tpu.memory_space<vmem>>, vector<16xi32>,
      }
      %scan3A_15 = arith.constant 400 : i32
      %dma_start3A = arith.constant 0 : i32
      %dma_start3A_16 = arith.constant 0 : i32
      %dma_start3A_17 = arith.constant 0 : i32
      %dma_start3A_18 = arith.constant 0 : i32
      %dma_start3A_19 = tpu.memref_slice %arg7[%dma_start3A, %dma_start3A_17, %dma_start3A_18] : memref<2x128x32xf32, #tpu.memory_space<vmem>> -> memref<1x128x32xf32, #tpu.memory_space<vmem>>
      %dma_start3A_20 = tpu.memref_squeeze %dma_start3A_19 : memref<1x128x32xf32, #tpu.memory_space<vmem>> -> memref<128x32xf32, #tpu.memory_space<vmem>>
      %dma_start3A_21 = arith.constant 0 : i32
      %dma_start3A_22 = tpu.memref_slice %arg6[%dma_start3A_21] : memref<6400xi32, #tpu.memory_space<vmem>> -> memref<128xi32, #tpu.memory_space<vmem>>
      %dma_start3A_23 = arith.constant 0 : i32
      %dma_start3A_24 = arith.constant 0 : i32
      %dma_start3A_25 = tpu.memref_slice %arg3[%dma_start3A_23, %dma_start3A_24] : memref<1000000x32xf32, #tpu.memory_space<hbm>> -> memref<1000000x32xf32, #tpu.memory_space<hbm>>
      %dma_start3A_26 = tpu.memref_slice %arg9[%dma_start3A_16] : memref<2x!tpu.dma_semaphore, #tpu.memory_space<semaphore_mem>> -> memref<1x!tpu.dma_semaphore, #tpu.memory_space<semaphore_mem>>
      %dma_start3A_27 = tpu.memref_squeeze %dma_start3A_26 : memref<1x!tpu.dma_semaphore, #tpu.memory_space<semaphore_mem>> -> memref<!tpu.dma_semaphore, #tpu.memory_space<semaphore_mem>>
      tpu.enqueue_indirect_dma source(%dma_start3A_25 : memref<1000000x32xf32, #tpu.memory_space<hbm>>) target(%dma_start3A_20 : memref<128x32xf32, #tpu.memory_space<vmem>>) offsets(%dma_start3A_22 : memref<128xi32, #tpu.memory_space<vmem>>) semaphore(%dma_start3A_27 : memref<!tpu.dma_semaphore, #tpu.memory_space<semaphore_mem>>)
      %scan3A_28 = arith.constant 0 : i32
      %scan3A_29 = arith.constant 50 : i32
      %scan3A_30 = arith.addi %scan3A_28, %scan3A_29 : i32
      %scan3A_31 = arith.constant 1 : i32
      scf.for %scan3A_33 = %scan3A_28 to %scan3A_30 step %scan3A_31  : i32 {
        %rem3A = arith.constant 2 : i32
        %rem3A_34 = arith.remsi %scan3A_33, %rem3A : i32
        %add3A_35 = arith.constant 1 : i32
        %add3A_36 = arith.addi %scan3A_33, %add3A_35 : i32
        %lt3A = arith.constant 50 : i32
        %lt3A_37 = arith.cmpi slt, %add3A_36, %lt3A : i32
        %convert_element_type3A = arith.extui %lt3A_37 : i1 to i32
        %cond3A = arith.constant 0 : i32
        %cond3A_38 = arith.cmpi ne, %convert_element_type3A, %cond3A : i32
        scf.if %cond3A_38 {
          %add3A_58 = arith.constant 1 : i32
          %add3A_59 = arith.addi %scan3A_33, %add3A_58 : i32
          %add3A_60 = arith.constant 1 : i32
          %add3A_61 = arith.addi %scan3A_33, %add3A_60 : i32
          %rem3A_62 = arith.constant 2 : i32
          %rem3A_63 = arith.remsi %add3A_61, %rem3A_62 : i32
          %mul3A_64 = arith.constant 128 : i32
          %mul3A_65 = arith.muli %add3A_59, %mul3A_64 : i32
          %dma_start3A_66 = arith.constant 0 : i32
          %dma_start3A_67 = arith.constant 0 : i32
          %dma_start3A_68 = tpu.memref_slice %arg7[%rem3A_63, %dma_start3A_66, %dma_start3A_67] : memref<2x128x32xf32, #tpu.memory_space<vmem>> -> memref<1x128x32xf32, #tpu.memory_space<vmem>>
          %dma_start3A_69 = tpu.memref_squeeze %dma_start3A_68 : memref<1x128x32xf32, #tpu.memory_space<vmem>> -> memref<128x32xf32, #tpu.memory_space<vmem>>
          %dma_start3A_70 = tpu.memref_slice %arg6[%mul3A_65] : memref<6400xi32, #tpu.memory_space<vmem>> -> memref<128xi32, #tpu.memory_space<vmem>>
          %dma_start3A_71 = arith.constant 0 : i32
          %dma_start3A_72 = arith.constant 0 : i32
          %dma_start3A_73 = tpu.memref_slice %arg3[%dma_start3A_71, %dma_start3A_72] : memref<1000000x32xf32, #tpu.memory_space<hbm>> -> memref<1000000x32xf32, #tpu.memory_space<hbm>>
          %dma_start3A_74 = tpu.memref_slice %arg9[%rem3A_63] : memref<2x!tpu.dma_semaphore, #tpu.memory_space<semaphore_mem>> -> memref<1x!tpu.dma_semaphore, #tpu.memory_space<semaphore_mem>>
          %dma_start3A_75 = tpu.memref_squeeze %dma_start3A_74 : memref<1x!tpu.dma_semaphore, #tpu.memory_space<semaphore_mem>> -> memref<!tpu.dma_semaphore, #tpu.memory_space<semaphore_mem>>
          tpu.enqueue_indirect_dma source(%dma_start3A_73 : memref<1000000x32xf32, #tpu.memory_space<hbm>>) target(%dma_start3A_69 : memref<128x32xf32, #tpu.memory_space<vmem>>) offsets(%dma_start3A_70 : memref<128xi32, #tpu.memory_space<vmem>>) semaphore(%dma_start3A_75 : memref<!tpu.dma_semaphore, #tpu.memory_space<semaphore_mem>>)
        } else {
        }
        %mul3A_39 = arith.constant 128 : i32
        %mul3A_40 = arith.muli %scan3A_33, %mul3A_39 : i32
        %dma_wait3A = arith.constant 0 : i32
        %dma_wait3A_41 = arith.constant 0 : i32
        %dma_wait3A_42 = tpu.memref_slice %arg7[%rem3A_34, %dma_wait3A, %dma_wait3A_41] : memref<2x128x32xf32, #tpu.memory_space<vmem>> -> memref<1x128x32xf32, #tpu.memory_space<vmem>>
        %dma_wait3A_43 = tpu.memref_squeeze %dma_wait3A_42 : memref<1x128x32xf32, #tpu.memory_space<vmem>> -> memref<128x32xf32, #tpu.memory_space<vmem>>
        %dma_wait3A_44 = tpu.memref_slice %arg6[%mul3A_40] : memref<6400xi32, #tpu.memory_space<vmem>> -> memref<128xi32, #tpu.memory_space<vmem>>
        %dma_wait3A_45 = arith.constant 0 : i32
        %dma_wait3A_46 = arith.constant 0 : i32
        %dma_wait3A_47 = tpu.memref_slice %arg3[%dma_wait3A_45, %dma_wait3A_46] : memref<1000000x32xf32, #tpu.memory_space<hbm>> -> memref<1000000x32xf32, #tpu.memory_space<hbm>>
        %dma_wait3A_48 = tpu.memref_slice %arg9[%rem3A_34] : memref<2x!tpu.dma_semaphore, #tpu.memory_space<semaphore_mem>> -> memref<1x!tpu.dma_semaphore, #tpu.memory_space<semaphore_mem>>
        %dma_wait3A_49 = tpu.memref_squeeze %dma_wait3A_48 : memref<1x!tpu.dma_semaphore, #tpu.memory_space<semaphore_mem>> -> memref<!tpu.dma_semaphore, #tpu.memory_space<semaphore_mem>>
        tpu.wait_indirect_dma semaphore(%dma_wait3A_49 : memref<!tpu.dma_semaphore, #tpu.memory_space<semaphore_mem>>) src(%dma_wait3A_47 : memref<1000000x32xf32, #tpu.memory_space<hbm>>) dst(%dma_wait3A_43 : memref<128x32xf32, #tpu.memory_space<vmem>>)
        %scan3A_50 = arith.constant 0 : i32
        %scan3A_51 = arith.constant 256 : i32
        %scan3A_52 = arith.addi %scan3A_50, %scan3A_51 : i32
        %scan3A_53 = arith.constant 8 : i32
        scf.for %scan3A_58 = %scan3A_50 to %scan3A_52 step %scan3A_53  : i32 {
          %jit3A = arith.constant 2 : i32
          %div3A = arith.divsi %scan3A_58, %jit3A : i32
          %sign3A = arith.constant 0 : i32
          %sign3A_59 = arith.cmpi sgt, %scan3A_58, %sign3A : i32
          %sign3A_60 = arith.extui %sign3A_59 : i1 to i32
          %sign3A_61 = arith.constant 0 : i32
          %sign3A_62 = arith.cmpi slt, %scan3A_58, %sign3A_61 : i32
          %sign3A_63 = arith.extui %sign3A_62 : i1 to i32
          %sign3A_64 = arith.subi %sign3A_60, %sign3A_63 : i32
          %sign3A_65 = arith.constant 0 : i32
          %sign3A_66 = arith.cmpi sgt, %jit3A, %sign3A_65 : i32
          %sign3A_67 = arith.extui %sign3A_66 : i1 to i32
          %sign3A_68 = arith.constant 0 : i32
          %sign3A_69 = arith.cmpi slt, %jit3A, %sign3A_68 : i32
          %sign3A_70 = arith.extui %sign3A_69 : i1 to i32
          %sign3A_71 = arith.subi %sign3A_67, %sign3A_70 : i32
          %ne3A = arith.cmpi ne, %sign3A_64, %sign3A_71 : i32
          %rem3A_72 = arith.remsi %scan3A_58, %jit3A : i32
          %ne3A_73 = arith.constant 0 : i32
          %ne3A_74 = arith.cmpi ne, %rem3A_72, %ne3A_73 : i32
          %and3A = arith.andi %ne3A, %ne3A_74 : i1
          %sub3A = arith.constant 1 : i32
          %sub3A_75 = arith.subi %div3A, %sub3A : i32
          %select_n3A = arith.select %and3A, %sub3A_75, %div3A : i32
          %rem3A_76 = arith.constant 2 : i32
          %rem3A_77 = arith.remsi %scan3A_58, %rem3A_76 : i32
          %mul3A_78 = arith.constant 16 : i32
          %mul3A_79 = arith.muli %rem3A_77, %mul3A_78 : i32
          %iota3A = tpu.iota {dimensions = array<i32: 0>} : vector<16xi32>
          %get3A = arith.index_cast %rem3A_34 : i32 to index
          %get3A_80 = arith.index_cast %select_n3A : i32 to index
          %get3A_81 = arith.index_cast %mul3A_79 : i32 to index
          %get3A_82 = tpu.vector_load %arg7[%get3A, %get3A_80, %get3A_81] {strides = array<i32>} : memref<2x128x32xf32, #tpu.memory_space<vmem>>, vector<16xf32>,
          %add3A_83 = vector.broadcast %mul3A_79 : i32 to vector<16xi32>
          %add3A_84 = arith.addi %iota3A, %add3A_83 : vector<16xi32>
          %mul3A_85 = arith.constant 0 : i32
          %mul3A_86 = vector.broadcast %mul3A_85 : i32 to vector<16xi32>
          %mul3A_87 = arith.muli %iota3A, %mul3A_86 : vector<16xi32>
          %add3A_88 = vector.broadcast %select_n3A : i32 to vector<16xi32>
          %add3A_89 = arith.addi %mul3A_87, %add3A_88 : vector<16xi32>
          tpu.vector_store_idx %arg8[%add3A_84, %add3A_89], %get3A_82 : memref<32x136xf32, #tpu.memory_space<vmem>>[vector<16xi32>, vector<16xi32>], vector<16xf32>,
          %scan3A_90 = arith.constant 1 : i32
          %scan3A_91 = arith.addi %scan3A_58, %scan3A_90 : i32
          %jit3A_92 = arith.constant 2 : i32
          %div3A_93 = arith.divsi %scan3A_91, %jit3A_92 : i32
          %sign3A_94 = arith.constant 0 : i32
          %sign3A_95 = arith.cmpi sgt, %scan3A_91, %sign3A_94 : i32
          %sign3A_96 = arith.extui %sign3A_95 : i1 to i32
          %sign3A_97 = arith.constant 0 : i32
          %sign3A_98 = arith.cmpi slt, %scan3A_91, %sign3A_97 : i32
          %sign3A_99 = arith.extui %sign3A_98 : i1 to i32
          %sign3A_100 = arith.subi %sign3A_96, %sign3A_99 : i32
          %sign3A_101 = arith.constant 0 : i32
          %sign3A_102 = arith.cmpi sgt, %jit3A_92, %sign3A_101 : i32
          %sign3A_103 = arith.extui %sign3A_102 : i1 to i32
          %sign3A_104 = arith.constant 0 : i32
          %sign3A_105 = arith.cmpi slt, %jit3A_92, %sign3A_104 : i32
          %sign3A_106 = arith.extui %sign3A_105 : i1 to i32
          %sign3A_107 = arith.subi %sign3A_103, %sign3A_106 : i32
          %ne3A_108 = arith.cmpi ne, %sign3A_100, %sign3A_107 : i32
          %rem3A_109 = arith.remsi %scan3A_91, %jit3A_92 : i32
          %ne3A_110 = arith.constant 0 : i32
          %ne3A_111 = arith.cmpi ne, %rem3A_109, %ne3A_110 : i32
          %and3A_112 = arith.andi %ne3A_108, %ne3A_111 : i1
          %sub3A_113 = arith.constant 1 : i32
          %sub3A_114 = arith.subi %div3A_93, %sub3A_113 : i32
          %select_n3A_115 = arith.select %and3A_112, %sub3A_114, %div3A_93 : i32
          %rem3A_116 = arith.constant 2 : i32
          %rem3A_117 = arith.remsi %scan3A_91, %rem3A_116 : i32
          %mul3A_118 = arith.constant 16 : i32
          %mul3A_119 = arith.muli %rem3A_117, %mul3A_118 : i32
          %iota3A_120 = tpu.iota {dimensions = array<i32: 0>} : vector<16xi32>
          %get3A_121 = arith.index_cast %rem3A_34 : i32 to index
          %get3A_122 = arith.index_cast %select_n3A_115 : i32 to index
          %get3A_123 = arith.index_cast %mul3A_119 : i32 to index
          %get3A_124 = tpu.vector_load %arg7[%get3A_121, %get3A_122, %get3A_123] {strides = array<i32>} : memref<2x128x32xf32, #tpu.memory_space<vmem>>, vector<16xf32>,
          %add3A_125 = vector.broadcast %mul3A_119 : i32 to vector<16xi32>
          %add3A_126 = arith.addi %iota3A_120, %add3A_125 : vector<16xi32>
          %mul3A_127 = arith.constant 0 : i32
          %mul3A_128 = vector.broadcast %mul3A_127 : i32 to vector<16xi32>
          %mul3A_129 = arith.muli %iota3A_120, %mul3A_128 : vector<16xi32>
          %add3A_130 = vector.broadcast %select_n3A_115 : i32 to vector<16xi32>
          %add3A_131 = arith.addi %mul3A_129, %add3A_130 : vector<16xi32>
          tpu.vector_store_idx %arg8[%add3A_126, %add3A_131], %get3A_124 : memref<32x136xf32, #tpu.memory_space<vmem>>[vector<16xi32>, vector<16xi32>], vector<16xf32>,
          %scan3A_132 = arith.constant 2 : i32
          %scan3A_133 = arith.addi %scan3A_58, %scan3A_132 : i32
          %jit3A_134 = arith.constant 2 : i32
          %div3A_135 = arith.divsi %scan3A_133, %jit3A_134 : i32
          %sign3A_136 = arith.constant 0 : i32
          %sign3A_137 = arith.cmpi sgt, %scan3A_133, %sign3A_136 : i32
          %sign3A_138 = arith.extui %sign3A_137 : i1 to i32
          %sign3A_139 = arith.constant 0 : i32
          %sign3A_140 = arith.cmpi slt, %scan3A_133, %sign3A_139 : i32
          %sign3A_141 = arith.extui %sign3A_140 : i1 to i32
          %sign3A_142 = arith.subi %sign3A_138, %sign3A_141 : i32
          %sign3A_143 = arith.constant 0 : i32
          %sign3A_144 = arith.cmpi sgt, %jit3A_134, %sign3A_143 : i32
          %sign3A_145 = arith.extui %sign3A_144 : i1 to i32
          %sign3A_146 = arith.constant 0 : i32
          %sign3A_147 = arith.cmpi slt, %jit3A_134, %sign3A_146 : i32
          %sign3A_148 = arith.extui %sign3A_147 : i1 to i32
          %sign3A_149 = arith.subi %sign3A_145, %sign3A_148 : i32
          %ne3A_150 = arith.cmpi ne, %sign3A_142, %sign3A_149 : i32
          %rem3A_151 = arith.remsi %scan3A_133, %jit3A_134 : i32
          %ne3A_152 = arith.constant 0 : i32
          %ne3A_153 = arith.cmpi ne, %rem3A_151, %ne3A_152 : i32
          %and3A_154 = arith.andi %ne3A_150, %ne3A_153 : i1
          %sub3A_155 = arith.constant 1 : i32
          %sub3A_156 = arith.subi %div3A_135, %sub3A_155 : i32
          %select_n3A_157 = arith.select %and3A_154, %sub3A_156, %div3A_135 : i32
          %rem3A_158 = arith.constant 2 : i32
          %rem3A_159 = arith.remsi %scan3A_133, %rem3A_158 : i32
          %mul3A_160 = arith.constant 16 : i32
          %mul3A_161 = arith.muli %rem3A_159, %mul3A_160 : i32
          %iota3A_162 = tpu.iota {dimensions = array<i32: 0>} : vector<16xi32>
          %get3A_163 = arith.index_cast %rem3A_34 : i32 to index
          %get3A_164 = arith.index_cast %select_n3A_157 : i32 to index
          %get3A_165 = arith.index_cast %mul3A_161 : i32 to index
          %get3A_166 = tpu.vector_load %arg7[%get3A_163, %get3A_164, %get3A_165] {strides = array<i32>} : memref<2x128x32xf32, #tpu.memory_space<vmem>>, vector<16xf32>,
          %add3A_167 = vector.broadcast %mul3A_161 : i32 to vector<16xi32>
          %add3A_168 = arith.addi %iota3A_162, %add3A_167 : vector<16xi32>
          %mul3A_169 = arith.constant 0 : i32
          %mul3A_170 = vector.broadcast %mul3A_169 : i32 to vector<16xi32>
          %mul3A_171 = arith.muli %iota3A_162, %mul3A_170 : vector<16xi32>
          %add3A_172 = vector.broadcast %select_n3A_157 : i32 to vector<16xi32>
          %add3A_173 = arith.addi %mul3A_171, %add3A_172 : vector<16xi32>
          tpu.vector_store_idx %arg8[%add3A_168, %add3A_173], %get3A_166 : memref<32x136xf32, #tpu.memory_space<vmem>>[vector<16xi32>, vector<16xi32>], vector<16xf32>,
          %scan3A_174 = arith.constant 3 : i32
          %scan3A_175 = arith.addi %scan3A_58, %scan3A_174 : i32
          %jit3A_176 = arith.constant 2 : i32
          %div3A_177 = arith.divsi %scan3A_175, %jit3A_176 : i32
          %sign3A_178 = arith.constant 0 : i32
          %sign3A_179 = arith.cmpi sgt, %scan3A_175, %sign3A_178 : i32
          %sign3A_180 = arith.extui %sign3A_179 : i1 to i32
          %sign3A_181 = arith.constant 0 : i32
          %sign3A_182 = arith.cmpi slt, %scan3A_175, %sign3A_181 : i32
          %sign3A_183 = arith.extui %sign3A_182 : i1 to i32
          %sign3A_184 = arith.subi %sign3A_180, %sign3A_183 : i32
          %sign3A_185 = arith.constant 0 : i32
          %sign3A_186 = arith.cmpi sgt, %jit3A_176, %sign3A_185 : i32
          %sign3A_187 = arith.extui %sign3A_186 : i1 to i32
          %sign3A_188 = arith.constant 0 : i32
          %sign3A_189 = arith.cmpi slt, %jit3A_176, %sign3A_188 : i32
          %sign3A_190 = arith.extui %sign3A_189 : i1 to i32
          %sign3A_191 = arith.subi %sign3A_187, %sign3A_190 : i32
          %ne3A_192 = arith.cmpi ne, %sign3A_184, %sign3A_191 : i32
          %rem3A_193 = arith.remsi %scan3A_175, %jit3A_176 : i32
          %ne3A_194 = arith.constant 0 : i32
          %ne3A_195 = arith.cmpi ne, %rem3A_193, %ne3A_194 : i32
          %and3A_196 = arith.andi %ne3A_192, %ne3A_195 : i1
          %sub3A_197 = arith.constant 1 : i32
          %sub3A_198 = arith.subi %div3A_177, %sub3A_197 : i32
          %select_n3A_199 = arith.select %and3A_196, %sub3A_198, %div3A_177 : i32
          %rem3A_200 = arith.constant 2 : i32
          %rem3A_201 = arith.remsi %scan3A_175, %rem3A_200 : i32
          %mul3A_202 = arith.constant 16 : i32
          %mul3A_203 = arith.muli %rem3A_201, %mul3A_202 : i32
          %iota3A_204 = tpu.iota {dimensions = array<i32: 0>} : vector<16xi32>
          %get3A_205 = arith.index_cast %rem3A_34 : i32 to index
          %get3A_206 = arith.index_cast %select_n3A_199 : i32 to index
          %get3A_207 = arith.index_cast %mul3A_203 : i32 to index
          %get3A_208 = tpu.vector_load %arg7[%get3A_205, %get3A_206, %get3A_207] {strides = array<i32>} : memref<2x128x32xf32, #tpu.memory_space<vmem>>, vector<16xf32>,
          %add3A_209 = vector.broadcast %mul3A_203 : i32 to vector<16xi32>
          %add3A_210 = arith.addi %iota3A_204, %add3A_209 : vector<16xi32>
          %mul3A_211 = arith.constant 0 : i32
          %mul3A_212 = vector.broadcast %mul3A_211 : i32 to vector<16xi32>
          %mul3A_213 = arith.muli %iota3A_204, %mul3A_212 : vector<16xi32>
          %add3A_214 = vector.broadcast %select_n3A_199 : i32 to vector<16xi32>
          %add3A_215 = arith.addi %mul3A_213, %add3A_214 : vector<16xi32>
          tpu.vector_store_idx %arg8[%add3A_210, %add3A_215], %get3A_208 : memref<32x136xf32, #tpu.memory_space<vmem>>[vector<16xi32>, vector<16xi32>], vector<16xf32>,
          %scan3A_216 = arith.constant 4 : i32
          %scan3A_217 = arith.addi %scan3A_58, %scan3A_216 : i32
          %jit3A_218 = arith.constant 2 : i32
          %div3A_219 = arith.divsi %scan3A_217, %jit3A_218 : i32
          %sign3A_220 = arith.constant 0 : i32
          %sign3A_221 = arith.cmpi sgt, %scan3A_217, %sign3A_220 : i32
          %sign3A_222 = arith.extui %sign3A_221 : i1 to i32
          %sign3A_223 = arith.constant 0 : i32
          %sign3A_224 = arith.cmpi slt, %scan3A_217, %sign3A_223 : i32
          %sign3A_225 = arith.extui %sign3A_224 : i1 to i32
          %sign3A_226 = arith.subi %sign3A_222, %sign3A_225 : i32
          %sign3A_227 = arith.constant 0 : i32
          %sign3A_228 = arith.cmpi sgt, %jit3A_218, %sign3A_227 : i32
          %sign3A_229 = arith.extui %sign3A_228 : i1 to i32
          %sign3A_230 = arith.constant 0 : i32
          %sign3A_231 = arith.cmpi slt, %jit3A_218, %sign3A_230 : i32
          %sign3A_232 = arith.extui %sign3A_231 : i1 to i32
          %sign3A_233 = arith.subi %sign3A_229, %sign3A_232 : i32
          %ne3A_234 = arith.cmpi ne, %sign3A_226, %sign3A_233 : i32
          %rem3A_235 = arith.remsi %scan3A_217, %jit3A_218 : i32
          %ne3A_236 = arith.constant 0 : i32
          %ne3A_237 = arith.cmpi ne, %rem3A_235, %ne3A_236 : i32
          %and3A_238 = arith.andi %ne3A_234, %ne3A_237 : i1
          %sub3A_239 = arith.constant 1 : i32
          %sub3A_240 = arith.subi %div3A_219, %sub3A_239 : i32
          %select_n3A_241 = arith.select %and3A_238, %sub3A_240, %div3A_219 : i32
          %rem3A_242 = arith.constant 2 : i32
          %rem3A_243 = arith.remsi %scan3A_217, %rem3A_242 : i32
          %mul3A_244 = arith.constant 16 : i32
          %mul3A_245 = arith.muli %rem3A_243, %mul3A_244 : i32
          %iota3A_246 = tpu.iota {dimensions = array<i32: 0>} : vector<16xi32>
          %get3A_247 = arith.index_cast %rem3A_34 : i32 to index
          %get3A_248 = arith.index_cast %select_n3A_241 : i32 to index
          %get3A_249 = arith.index_cast %mul3A_245 : i32 to index
          %get3A_250 = tpu.vector_load %arg7[%get3A_247, %get3A_248, %get3A_249] {strides = array<i32>} : memref<2x128x32xf32, #tpu.memory_space<vmem>>, vector<16xf32>,
          %add3A_251 = vector.broadcast %mul3A_245 : i32 to vector<16xi32>
          %add3A_252 = arith.addi %iota3A_246, %add3A_251 : vector<16xi32>
          %mul3A_253 = arith.constant 0 : i32
          %mul3A_254 = vector.broadcast %mul3A_253 : i32 to vector<16xi32>
          %mul3A_255 = arith.muli %iota3A_246, %mul3A_254 : vector<16xi32>
          %add3A_256 = vector.broadcast %select_n3A_241 : i32 to vector<16xi32>
          %add3A_257 = arith.addi %mul3A_255, %add3A_256 : vector<16xi32>
          tpu.vector_store_idx %arg8[%add3A_252, %add3A_257], %get3A_250 : memref<32x136xf32, #tpu.memory_space<vmem>>[vector<16xi32>, vector<16xi32>], vector<16xf32>,
          %scan3A_258 = arith.constant 5 : i32
          %scan3A_259 = arith.addi %scan3A_58, %scan3A_258 : i32
          %jit3A_260 = arith.constant 2 : i32
          %div3A_261 = arith.divsi %scan3A_259, %jit3A_260 : i32
          %sign3A_262 = arith.constant 0 : i32
          %sign3A_263 = arith.cmpi sgt, %scan3A_259, %sign3A_262 : i32
          %sign3A_264 = arith.extui %sign3A_263 : i1 to i32
          %sign3A_265 = arith.constant 0 : i32
          %sign3A_266 = arith.cmpi slt, %scan3A_259, %sign3A_265 : i32
          %sign3A_267 = arith.extui %sign3A_266 : i1 to i32
          %sign3A_268 = arith.subi %sign3A_264, %sign3A_267 : i32
          %sign3A_269 = arith.constant 0 : i32
          %sign3A_270 = arith.cmpi sgt, %jit3A_260, %sign3A_269 : i32
          %sign3A_271 = arith.extui %sign3A_270 : i1 to i32
          %sign3A_272 = arith.constant 0 : i32
          %sign3A_273 = arith.cmpi slt, %jit3A_260, %sign3A_272 : i32
          %sign3A_274 = arith.extui %sign3A_273 : i1 to i32
          %sign3A_275 = arith.subi %sign3A_271, %sign3A_274 : i32
          %ne3A_276 = arith.cmpi ne, %sign3A_268, %sign3A_275 : i32
          %rem3A_277 = arith.remsi %scan3A_259, %jit3A_260 : i32
          %ne3A_278 = arith.constant 0 : i32
          %ne3A_279 = arith.cmpi ne, %rem3A_277, %ne3A_278 : i32
          %and3A_280 = arith.andi %ne3A_276, %ne3A_279 : i1
          %sub3A_281 = arith.constant 1 : i32
          %sub3A_282 = arith.subi %div3A_261, %sub3A_281 : i32
          %select_n3A_283 = arith.select %and3A_280, %sub3A_282, %div3A_261 : i32
          %rem3A_284 = arith.constant 2 : i32
          %rem3A_285 = arith.remsi %scan3A_259, %rem3A_284 : i32
          %mul3A_286 = arith.constant 16 : i32
          %mul3A_287 = arith.muli %rem3A_285, %mul3A_286 : i32
          %iota3A_288 = tpu.iota {dimensions = array<i32: 0>} : vector<16xi32>
          %get3A_289 = arith.index_cast %rem3A_34 : i32 to index
          %get3A_290 = arith.index_cast %select_n3A_283 : i32 to index
          %get3A_291 = arith.index_cast %mul3A_287 : i32 to index
          %get3A_292 = tpu.vector_load %arg7[%get3A_289, %get3A_290, %get3A_291] {strides = array<i32>} : memref<2x128x32xf32, #tpu.memory_space<vmem>>, vector<16xf32>,
          %add3A_293 = vector.broadcast %mul3A_287 : i32 to vector<16xi32>
          %add3A_294 = arith.addi %iota3A_288, %add3A_293 : vector<16xi32>
          %mul3A_295 = arith.constant 0 : i32
          %mul3A_296 = vector.broadcast %mul3A_295 : i32 to vector<16xi32>
          %mul3A_297 = arith.muli %iota3A_288, %mul3A_296 : vector<16xi32>
          %add3A_298 = vector.broadcast %select_n3A_283 : i32 to vector<16xi32>
          %add3A_299 = arith.addi %mul3A_297, %add3A_298 : vector<16xi32>
          tpu.vector_store_idx %arg8[%add3A_294, %add3A_299], %get3A_292 : memref<32x136xf32, #tpu.memory_space<vmem>>[vector<16xi32>, vector<16xi32>], vector<16xf32>,
          %scan3A_300 = arith.constant 6 : i32
          %scan3A_301 = arith.addi %scan3A_58, %scan3A_300 : i32
          %jit3A_302 = arith.constant 2 : i32
          %div3A_303 = arith.divsi %scan3A_301, %jit3A_302 : i32
          %sign3A_304 = arith.constant 0 : i32
          %sign3A_305 = arith.cmpi sgt, %scan3A_301, %sign3A_304 : i32
          %sign3A_306 = arith.extui %sign3A_305 : i1 to i32
          %sign3A_307 = arith.constant 0 : i32
          %sign3A_308 = arith.cmpi slt, %scan3A_301, %sign3A_307 : i32
          %sign3A_309 = arith.extui %sign3A_308 : i1 to i32
          %sign3A_310 = arith.subi %sign3A_306, %sign3A_309 : i32
          %sign3A_311 = arith.constant 0 : i32
          %sign3A_312 = arith.cmpi sgt, %jit3A_302, %sign3A_311 : i32
          %sign3A_313 = arith.extui %sign3A_312 : i1 to i32
          %sign3A_314 = arith.constant 0 : i32
          %sign3A_315 = arith.cmpi slt, %jit3A_302, %sign3A_314 : i32
          %sign3A_316 = arith.extui %sign3A_315 : i1 to i32
          %sign3A_317 = arith.subi %sign3A_313, %sign3A_316 : i32
          %ne3A_318 = arith.cmpi ne, %sign3A_310, %sign3A_317 : i32
          %rem3A_319 = arith.remsi %scan3A_301, %jit3A_302 : i32
          %ne3A_320 = arith.constant 0 : i32
          %ne3A_321 = arith.cmpi ne, %rem3A_319, %ne3A_320 : i32
          %and3A_322 = arith.andi %ne3A_318, %ne3A_321 : i1
          %sub3A_323 = arith.constant 1 : i32
          %sub3A_324 = arith.subi %div3A_303, %sub3A_323 : i32
          %select_n3A_325 = arith.select %and3A_322, %sub3A_324, %div3A_303 : i32
          %rem3A_326 = arith.constant 2 : i32
          %rem3A_327 = arith.remsi %scan3A_301, %rem3A_326 : i32
          %mul3A_328 = arith.constant 16 : i32
          %mul3A_329 = arith.muli %rem3A_327, %mul3A_328 : i32
          %iota3A_330 = tpu.iota {dimensions = array<i32: 0>} : vector<16xi32>
          %get3A_331 = arith.index_cast %rem3A_34 : i32 to index
          %get3A_332 = arith.index_cast %select_n3A_325 : i32 to index
          %get3A_333 = arith.index_cast %mul3A_329 : i32 to index
          %get3A_334 = tpu.vector_load %arg7[%get3A_331, %get3A_332, %get3A_333] {strides = array<i32>} : memref<2x128x32xf32, #tpu.memory_space<vmem>>, vector<16xf32>,
          %add3A_335 = vector.broadcast %mul3A_329 : i32 to vector<16xi32>
          %add3A_336 = arith.addi %iota3A_330, %add3A_335 : vector<16xi32>
          %mul3A_337 = arith.constant 0 : i32
          %mul3A_338 = vector.broadcast %mul3A_337 : i32 to vector<16xi32>
          %mul3A_339 = arith.muli %iota3A_330, %mul3A_338 : vector<16xi32>
          %add3A_340 = vector.broadcast %select_n3A_325 : i32 to vector<16xi32>
          %add3A_341 = arith.addi %mul3A_339, %add3A_340 : vector<16xi32>
          tpu.vector_store_idx %arg8[%add3A_336, %add3A_341], %get3A_334 : memref<32x136xf32, #tpu.memory_space<vmem>>[vector<16xi32>, vector<16xi32>], vector<16xf32>,
          %scan3A_342 = arith.constant 7 : i32
          %scan3A_343 = arith.addi %scan3A_58, %scan3A_342 : i32
          %jit3A_344 = arith.constant 2 : i32
          %div3A_345 = arith.divsi %scan3A_343, %jit3A_344 : i32
          %sign3A_346 = arith.constant 0 : i32
          %sign3A_347 = arith.cmpi sgt, %scan3A_343, %sign3A_346 : i32
          %sign3A_348 = arith.extui %sign3A_347 : i1 to i32
          %sign3A_349 = arith.constant 0 : i32
          %sign3A_350 = arith.cmpi slt, %scan3A_343, %sign3A_349 : i32
          %sign3A_351 = arith.extui %sign3A_350 : i1 to i32
          %sign3A_352 = arith.subi %sign3A_348, %sign3A_351 : i32
          %sign3A_353 = arith.constant 0 : i32
          %sign3A_354 = arith.cmpi sgt, %jit3A_344, %sign3A_353 : i32
          %sign3A_355 = arith.extui %sign3A_354 : i1 to i32
          %sign3A_356 = arith.constant 0 : i32
          %sign3A_357 = arith.cmpi slt, %jit3A_344, %sign3A_356 : i32
          %sign3A_358 = arith.extui %sign3A_357 : i1 to i32
          %sign3A_359 = arith.subi %sign3A_355, %sign3A_358 : i32
          %ne3A_360 = arith.cmpi ne, %sign3A_352, %sign3A_359 : i32
          %rem3A_361 = arith.remsi %scan3A_343, %jit3A_344 : i32
          %ne3A_362 = arith.constant 0 : i32
          %ne3A_363 = arith.cmpi ne, %rem3A_361, %ne3A_362 : i32
          %and3A_364 = arith.andi %ne3A_360, %ne3A_363 : i1
          %sub3A_365 = arith.constant 1 : i32
          %sub3A_366 = arith.subi %div3A_345, %sub3A_365 : i32
          %select_n3A_367 = arith.select %and3A_364, %sub3A_366, %div3A_345 : i32
          %rem3A_368 = arith.constant 2 : i32
          %rem3A_369 = arith.remsi %scan3A_343, %rem3A_368 : i32
          %mul3A_370 = arith.constant 16 : i32
          %mul3A_371 = arith.muli %rem3A_369, %mul3A_370 : i32
          %iota3A_372 = tpu.iota {dimensions = array<i32: 0>} : vector<16xi32>
          %get3A_373 = arith.index_cast %rem3A_34 : i32 to index
          %get3A_374 = arith.index_cast %select_n3A_367 : i32 to index
          %get3A_375 = arith.index_cast %mul3A_371 : i32 to index
          %get3A_376 = tpu.vector_load %arg7[%get3A_373, %get3A_374, %get3A_375] {strides = array<i32>} : memref<2x128x32xf32, #tpu.memory_space<vmem>>, vector<16xf32>,
          %add3A_377 = vector.broadcast %mul3A_371 : i32 to vector<16xi32>
          %add3A_378 = arith.addi %iota3A_372, %add3A_377 : vector<16xi32>
          %mul3A_379 = arith.constant 0 : i32
          %mul3A_380 = vector.broadcast %mul3A_379 : i32 to vector<16xi32>
          %mul3A_381 = arith.muli %iota3A_372, %mul3A_380 : vector<16xi32>
          %add3A_382 = vector.broadcast %select_n3A_367 : i32 to vector<16xi32>
          %add3A_383 = arith.addi %mul3A_381, %add3A_382 : vector<16xi32>
          tpu.vector_store_idx %arg8[%add3A_378, %add3A_383], %get3A_376 : memref<32x136xf32, #tpu.memory_space<vmem>>[vector<16xi32>, vector<16xi32>], vector<16xf32>,
        }
        %scan3A_54 = arith.constant 256 : i32
        %run_scoped3A = arith.constant 0 : i32
        "tpu.region"() ({
          %run_scoped3A_58 = tpu.sem_alloc : memref<!tpu.dma_semaphore, #tpu.memory_space<semaphore_mem>>
          %dma_start3A_59 = arith.constant 0 : i32
          %dma_start3A_60 = arith.constant 0 : i32
          %dma_start3A_61 = tpu.memref_slice %arg8[%dma_start3A_59, %dma_start3A_60] : memref<32x136xf32, #tpu.memory_space<vmem>> -> memref<8x128xf32, #tpu.memory_space<vmem>>
          %dma_start3A_62 = arith.constant 0 : i32
          %dma_start3A_63 = arith.constant 0 : i32
          %dma_start3A_64 = tpu.memref_slice %arg4[%scan3A_33, %run_scoped3A, %add3A_8, %dma_start3A_62, %dma_start3A_63] : memref<50x4x128x8x128xf32, #tpu.memory_space<hbm>> -> memref<1x1x1x8x128xf32, #tpu.memory_space<hbm>>
          %dma_start3A_65 = tpu.memref_squeeze %dma_start3A_64 : memref<1x1x1x8x128xf32, #tpu.memory_space<hbm>> -> memref<8x128xf32, #tpu.memory_space<hbm>>
          %dma_start3A_66 = arith.constant 0 : i32
          %dma_start3A_67 = arith.constant 0 : i32
          %dma_start3A_68 = tpu.memref_slice %arg4[%scan3A_33, %run_scoped3A, %add3A_8, %dma_start3A_66, %dma_start3A_67] : memref<50x4x128x8x128xf32, #tpu.memory_space<hbm>> -> memref<1x1x1x8x128xf32, #tpu.memory_space<hbm>>
          %dma_start3A_69 = tpu.memref_squeeze %dma_start3A_68 : memref<1x1x1x8x128xf32, #tpu.memory_space<hbm>> -> memref<8x128xf32, #tpu.memory_space<hbm>>
          %dma_start3A_70 = arith.constant 0 : i32
          %dma_start3A_71 = arith.constant 0 : i32
          %dma_start3A_72 = tpu.memref_slice %arg8[%dma_start3A_70, %dma_start3A_71] : memref<32x136xf32, #tpu.memory_space<vmem>> -> memref<8x128xf32, #tpu.memory_space<vmem>>
          tpu.enqueue_dma source(%dma_start3A_72 : memref<8x128xf32, #tpu.memory_space<vmem>>) target(%dma_start3A_69 : memref<8x128xf32, #tpu.memory_space<hbm>>) target_semaphore(%run_scoped3A_58 : memref<!tpu.dma_semaphore, #tpu.memory_space<semaphore_mem>>)
          %dma_wait3A_73 = arith.constant 0 : i32
          %dma_wait3A_74 = arith.constant 0 : i32
          %dma_wait3A_75 = tpu.memref_slice %arg8[%dma_wait3A_73, %dma_wait3A_74] : memref<32x136xf32, #tpu.memory_space<vmem>> -> memref<8x128xf32, #tpu.memory_space<vmem>>
          %dma_wait3A_76 = arith.constant 0 : i32
          %dma_wait3A_77 = arith.constant 0 : i32
          %dma_wait3A_78 = tpu.memref_slice %arg4[%scan3A_33, %run_scoped3A, %add3A_8, %dma_wait3A_76, %dma_wait3A_77] : memref<50x4x128x8x128xf32, #tpu.memory_space<hbm>> -> memref<1x1x1x8x128xf32, #tpu.memory_space<hbm>>
          %dma_wait3A_79 = tpu.memref_squeeze %dma_wait3A_78 : memref<1x1x1x8x128xf32, #tpu.memory_space<hbm>> -> memref<8x128xf32, #tpu.memory_space<hbm>>
          %dma_wait3A_80 = arith.constant 0 : i32
          %dma_wait3A_81 = arith.constant 0 : i32
          %dma_wait3A_82 = tpu.memref_slice %arg4[%scan3A_33, %run_scoped3A, %add3A_8, %dma_wait3A_80, %dma_wait3A_81] : memref<50x4x128x8x128xf32, #tpu.memory_space<hbm>> -> memref<1x1x1x8x128xf32, #tpu.memory_space<hbm>>
          %dma_wait3A_83 = tpu.memref_squeeze %dma_wait3A_82 : memref<1x1x1x8x128xf32, #tpu.memory_space<hbm>> -> memref<8x128xf32, #tpu.memory_space<hbm>>
          %dma_wait3A_84 = arith.constant 0 : i32
          %dma_wait3A_85 = arith.constant 0 : i32
          %dma_wait3A_86 = tpu.memref_slice %arg8[%dma_wait3A_84, %dma_wait3A_85] : memref<32x136xf32, #tpu.memory_space<vmem>> -> memref<8x128xf32, #tpu.memory_space<vmem>>
          tpu.wait_dma2 semaphore(%run_scoped3A_58 : memref<!tpu.dma_semaphore, #tpu.memory_space<semaphore_mem>>) src(%dma_wait3A_86 : memref<8x128xf32, #tpu.memory_space<vmem>>) dst(%dma_wait3A_83 : memref<8x128xf32, #tpu.memory_space<hbm>>)
          tpu.yield
        }) : () -> ()
        %run_scoped3A_55 = arith.constant 1 : i32
        "tpu.region"() ({
          %run_scoped3A_58 = tpu.sem_alloc : memref<!tpu.dma_semaphore, #tpu.memory_space<semaphore_mem>>
          %dma_start3A_59 = arith.constant 8 : i32
          %dma_start3A_60 = arith.constant 0 : i32
          %dma_start3A_61 = tpu.memref_slice %arg8[%dma_start3A_59, %dma_start3A_60] : memref<32x136xf32, #tpu.memory_space<vmem>> -> memref<8x128xf32, #tpu.memory_space<vmem>>
          %dma_start3A_62 = arith.constant 0 : i32
          %dma_start3A_63 = arith.constant 0 : i32
          %dma_start3A_64 = tpu.memref_slice %arg4[%scan3A_33, %run_scoped3A_55, %add3A_8, %dma_start3A_62, %dma_start3A_63] : memref<50x4x128x8x128xf32, #tpu.memory_space<hbm>> -> memref<1x1x1x8x128xf32, #tpu.memory_space<hbm>>
          %dma_start3A_65 = tpu.memref_squeeze %dma_start3A_64 : memref<1x1x1x8x128xf32, #tpu.memory_space<hbm>> -> memref<8x128xf32, #tpu.memory_space<hbm>>
          %dma_start3A_66 = arith.constant 0 : i32
          %dma_start3A_67 = arith.constant 0 : i32
          %dma_start3A_68 = tpu.memref_slice %arg4[%scan3A_33, %run_scoped3A_55, %add3A_8, %dma_start3A_66, %dma_start3A_67] : memref<50x4x128x8x128xf32, #tpu.memory_space<hbm>> -> memref<1x1x1x8x128xf32, #tpu.memory_space<hbm>>
          %dma_start3A_69 = tpu.memref_squeeze %dma_start3A_68 : memref<1x1x1x8x128xf32, #tpu.memory_space<hbm>> -> memref<8x128xf32, #tpu.memory_space<hbm>>
          %dma_start3A_70 = arith.constant 8 : i32
          %dma_start3A_71 = arith.constant 0 : i32
          %dma_start3A_72 = tpu.memref_slice %arg8[%dma_start3A_70, %dma_start3A_71] : memref<32x136xf32, #tpu.memory_space<vmem>> -> memref<8x128xf32, #tpu.memory_space<vmem>>
          tpu.enqueue_dma source(%dma_start3A_72 : memref<8x128xf32, #tpu.memory_space<vmem>>) target(%dma_start3A_69 : memref<8x128xf32, #tpu.memory_space<hbm>>) target_semaphore(%run_scoped3A_58 : memref<!tpu.dma_semaphore, #tpu.memory_space<semaphore_mem>>)
          %dma_wait3A_73 = arith.constant 8 : i32
          %dma_wait3A_74 = arith.constant 0 : i32
          %dma_wait3A_75 = tpu.memref_slice %arg8[%dma_wait3A_73, %dma_wait3A_74] : memref<32x136xf32, #tpu.memory_space<vmem>> -> memref<8x128xf32, #tpu.memory_space<vmem>>
          %dma_wait3A_76 = arith.constant 0 : i32
          %dma_wait3A_77 = arith.constant 0 : i32
          %dma_wait3A_78 = tpu.memref_slice %arg4[%scan3A_33, %run_scoped3A_55, %add3A_8, %dma_wait3A_76, %dma_wait3A_77] : memref<50x4x128x8x128xf32, #tpu.memory_space<hbm>> -> memref<1x1x1x8x128xf32, #tpu.memory_space<hbm>>
          %dma_wait3A_79 = tpu.memref_squeeze %dma_wait3A_78 : memref<1x1x1x8x128xf32, #tpu.memory_space<hbm>> -> memref<8x128xf32, #tpu.memory_space<hbm>>
          %dma_wait3A_80 = arith.constant 0 : i32
          %dma_wait3A_81 = arith.constant 0 : i32
          %dma_wait3A_82 = tpu.memref_slice %arg4[%scan3A_33, %run_scoped3A_55, %add3A_8, %dma_wait3A_80, %dma_wait3A_81] : memref<50x4x128x8x128xf32, #tpu.memory_space<hbm>> -> memref<1x1x1x8x128xf32, #tpu.memory_space<hbm>>
          %dma_wait3A_83 = tpu.memref_squeeze %dma_wait3A_82 : memref<1x1x1x8x128xf32, #tpu.memory_space<hbm>> -> memref<8x128xf32, #tpu.memory_space<hbm>>
          %dma_wait3A_84 = arith.constant 8 : i32
          %dma_wait3A_85 = arith.constant 0 : i32
          %dma_wait3A_86 = tpu.memref_slice %arg8[%dma_wait3A_84, %dma_wait3A_85] : memref<32x136xf32, #tpu.memory_space<vmem>> -> memref<8x128xf32, #tpu.memory_space<vmem>>
          tpu.wait_dma2 semaphore(%run_scoped3A_58 : memref<!tpu.dma_semaphore, #tpu.memory_space<semaphore_mem>>) src(%dma_wait3A_86 : memref<8x128xf32, #tpu.memory_space<vmem>>) dst(%dma_wait3A_83 : memref<8x128xf32, #tpu.memory_space<hbm>>)
          tpu.yield
        }) : () -> ()
        %run_scoped3A_56 = arith.constant 2 : i32
        "tpu.region"() ({
          %run_scoped3A_58 = tpu.sem_alloc : memref<!tpu.dma_semaphore, #tpu.memory_space<semaphore_mem>>
          %dma_start3A_59 = arith.constant 16 : i32
          %dma_start3A_60 = arith.constant 0 : i32
          %dma_start3A_61 = tpu.memref_slice %arg8[%dma_start3A_59, %dma_start3A_60] : memref<32x136xf32, #tpu.memory_space<vmem>> -> memref<8x128xf32, #tpu.memory_space<vmem>>
          %dma_start3A_62 = arith.constant 0 : i32
          %dma_start3A_63 = arith.constant 0 : i32
          %dma_start3A_64 = tpu.memref_slice %arg4[%scan3A_33, %run_scoped3A_56, %add3A_8, %dma_start3A_62, %dma_start3A_63] : memref<50x4x128x8x128xf32, #tpu.memory_space<hbm>> -> memref<1x1x1x8x128xf32, #tpu.memory_space<hbm>>
          %dma_start3A_65 = tpu.memref_squeeze %dma_start3A_64 : memref<1x1x1x8x128xf32, #tpu.memory_space<hbm>> -> memref<8x128xf32, #tpu.memory_space<hbm>>
          %dma_start3A_66 = arith.constant 0 : i32
          %dma_start3A_67 = arith.constant 0 : i32
          %dma_start3A_68 = tpu.memref_slice %arg4[%scan3A_33, %run_scoped3A_56, %add3A_8, %dma_start3A_66, %dma_start3A_67] : memref<50x4x128x8x128xf32, #tpu.memory_space<hbm>> -> memref<1x1x1x8x128xf32, #tpu.memory_space<hbm>>
          %dma_start3A_69 = tpu.memref_squeeze %dma_start3A_68 : memref<1x1x1x8x128xf32, #tpu.memory_space<hbm>> -> memref<8x128xf32, #tpu.memory_space<hbm>>
          %dma_start3A_70 = arith.constant 16 : i32
          %dma_start3A_71 = arith.constant 0 : i32
          %dma_start3A_72 = tpu.memref_slice %arg8[%dma_start3A_70, %dma_start3A_71] : memref<32x136xf32, #tpu.memory_space<vmem>> -> memref<8x128xf32, #tpu.memory_space<vmem>>
          tpu.enqueue_dma source(%dma_start3A_72 : memref<8x128xf32, #tpu.memory_space<vmem>>) target(%dma_start3A_69 : memref<8x128xf32, #tpu.memory_space<hbm>>) target_semaphore(%run_scoped3A_58 : memref<!tpu.dma_semaphore, #tpu.memory_space<semaphore_mem>>)
          %dma_wait3A_73 = arith.constant 16 : i32
          %dma_wait3A_74 = arith.constant 0 : i32
          %dma_wait3A_75 = tpu.memref_slice %arg8[%dma_wait3A_73, %dma_wait3A_74] : memref<32x136xf32, #tpu.memory_space<vmem>> -> memref<8x128xf32, #tpu.memory_space<vmem>>
          %dma_wait3A_76 = arith.constant 0 : i32
          %dma_wait3A_77 = arith.constant 0 : i32
          %dma_wait3A_78 = tpu.memref_slice %arg4[%scan3A_33, %run_scoped3A_56, %add3A_8, %dma_wait3A_76, %dma_wait3A_77] : memref<50x4x128x8x128xf32, #tpu.memory_space<hbm>> -> memref<1x1x1x8x128xf32, #tpu.memory_space<hbm>>
          %dma_wait3A_79 = tpu.memref_squeeze %dma_wait3A_78 : memref<1x1x1x8x128xf32, #tpu.memory_space<hbm>> -> memref<8x128xf32, #tpu.memory_space<hbm>>
          %dma_wait3A_80 = arith.constant 0 : i32
          %dma_wait3A_81 = arith.constant 0 : i32
          %dma_wait3A_82 = tpu.memref_slice %arg4[%scan3A_33, %run_scoped3A_56, %add3A_8, %dma_wait3A_80, %dma_wait3A_81] : memref<50x4x128x8x128xf32, #tpu.memory_space<hbm>> -> memref<1x1x1x8x128xf32, #tpu.memory_space<hbm>>
          %dma_wait3A_83 = tpu.memref_squeeze %dma_wait3A_82 : memref<1x1x1x8x128xf32, #tpu.memory_space<hbm>> -> memref<8x128xf32, #tpu.memory_space<hbm>>
          %dma_wait3A_84 = arith.constant 16 : i32
          %dma_wait3A_85 = arith.constant 0 : i32
          %dma_wait3A_86 = tpu.memref_slice %arg8[%dma_wait3A_84, %dma_wait3A_85] : memref<32x136xf32, #tpu.memory_space<vmem>> -> memref<8x128xf32, #tpu.memory_space<vmem>>
          tpu.wait_dma2 semaphore(%run_scoped3A_58 : memref<!tpu.dma_semaphore, #tpu.memory_space<semaphore_mem>>) src(%dma_wait3A_86 : memref<8x128xf32, #tpu.memory_space<vmem>>) dst(%dma_wait3A_83 : memref<8x128xf32, #tpu.memory_space<hbm>>)
          tpu.yield
        }) : () -> ()
        %run_scoped3A_57 = arith.constant 3 : i32
        "tpu.region"() ({
          %run_scoped3A_58 = tpu.sem_alloc : memref<!tpu.dma_semaphore, #tpu.memory_space<semaphore_mem>>
          %dma_start3A_59 = arith.constant 24 : i32
          %dma_start3A_60 = arith.constant 0 : i32
          %dma_start3A_61 = tpu.memref_slice %arg8[%dma_start3A_59, %dma_start3A_60] : memref<32x136xf32, #tpu.memory_space<vmem>> -> memref<8x128xf32, #tpu.memory_space<vmem>>
          %dma_start3A_62 = arith.constant 0 : i32
          %dma_start3A_63 = arith.constant 0 : i32
          %dma_start3A_64 = tpu.memref_slice %arg4[%scan3A_33, %run_scoped3A_57, %add3A_8, %dma_start3A_62, %dma_start3A_63] : memref<50x4x128x8x128xf32, #tpu.memory_space<hbm>> -> memref<1x1x1x8x128xf32, #tpu.memory_space<hbm>>
          %dma_start3A_65 = tpu.memref_squeeze %dma_start3A_64 : memref<1x1x1x8x128xf32, #tpu.memory_space<hbm>> -> memref<8x128xf32, #tpu.memory_space<hbm>>
          %dma_start3A_66 = arith.constant 0 : i32
          %dma_start3A_67 = arith.constant 0 : i32
          %dma_start3A_68 = tpu.memref_slice %arg4[%scan3A_33, %run_scoped3A_57, %add3A_8, %dma_start3A_66, %dma_start3A_67] : memref<50x4x128x8x128xf32, #tpu.memory_space<hbm>> -> memref<1x1x1x8x128xf32, #tpu.memory_space<hbm>>
          %dma_start3A_69 = tpu.memref_squeeze %dma_start3A_68 : memref<1x1x1x8x128xf32, #tpu.memory_space<hbm>> -> memref<8x128xf32, #tpu.memory_space<hbm>>
          %dma_start3A_70 = arith.constant 24 : i32
          %dma_start3A_71 = arith.constant 0 : i32
          %dma_start3A_72 = tpu.memref_slice %arg8[%dma_start3A_70, %dma_start3A_71] : memref<32x136xf32, #tpu.memory_space<vmem>> -> memref<8x128xf32, #tpu.memory_space<vmem>>
          tpu.enqueue_dma source(%dma_start3A_72 : memref<8x128xf32, #tpu.memory_space<vmem>>) target(%dma_start3A_69 : memref<8x128xf32, #tpu.memory_space<hbm>>) target_semaphore(%run_scoped3A_58 : memref<!tpu.dma_semaphore, #tpu.memory_space<semaphore_mem>>)
          %dma_wait3A_73 = arith.constant 24 : i32
          %dma_wait3A_74 = arith.constant 0 : i32
          %dma_wait3A_75 = tpu.memref_slice %arg8[%dma_wait3A_73, %dma_wait3A_74] : memref<32x136xf32, #tpu.memory_space<vmem>> -> memref<8x128xf32, #tpu.memory_space<vmem>>
          %dma_wait3A_76 = arith.constant 0 : i32
          %dma_wait3A_77 = arith.constant 0 : i32
          %dma_wait3A_78 = tpu.memref_slice %arg4[%scan3A_33, %run_scoped3A_57, %add3A_8, %dma_wait3A_76, %dma_wait3A_77] : memref<50x4x128x8x128xf32, #tpu.memory_space<hbm>> -> memref<1x1x1x8x128xf32, #tpu.memory_space<hbm>>
          %dma_wait3A_79 = tpu.memref_squeeze %dma_wait3A_78 : memref<1x1x1x8x128xf32, #tpu.memory_space<hbm>> -> memref<8x128xf32, #tpu.memory_space<hbm>>
          %dma_wait3A_80 = arith.constant 0 : i32
          %dma_wait3A_81 = arith.constant 0 : i32
          %dma_wait3A_82 = tpu.memref_slice %arg4[%scan3A_33, %run_scoped3A_57, %add3A_8, %dma_wait3A_80, %dma_wait3A_81] : memref<50x4x128x8x128xf32, #tpu.memory_space<hbm>> -> memref<1x1x1x8x128xf32, #tpu.memory_space<hbm>>
          %dma_wait3A_83 = tpu.memref_squeeze %dma_wait3A_82 : memref<1x1x1x8x128xf32, #tpu.memory_space<hbm>> -> memref<8x128xf32, #tpu.memory_space<hbm>>
          %dma_wait3A_84 = arith.constant 24 : i32
          %dma_wait3A_85 = arith.constant 0 : i32
          %dma_wait3A_86 = tpu.memref_slice %arg8[%dma_wait3A_84, %dma_wait3A_85] : memref<32x136xf32, #tpu.memory_space<vmem>> -> memref<8x128xf32, #tpu.memory_space<vmem>>
          tpu.wait_dma2 semaphore(%run_scoped3A_58 : memref<!tpu.dma_semaphore, #tpu.memory_space<semaphore_mem>>) src(%dma_wait3A_86 : memref<8x128xf32, #tpu.memory_space<vmem>>) dst(%dma_wait3A_83 : memref<8x128xf32, #tpu.memory_space<hbm>>)
          tpu.yield
        }) : () -> ()
      }
      %scan3A_32 = arith.constant 50 : i32
    }
    %scan3A_4 = arith.constant 4 : i32
    return
  }
}

</mosaic_0001>

<sc_bundles>
// kernel: kernel.3.cloned.1.call-start
scs
__scs_entry_jumppad:
0x0: {  	(pc) =	sbr.rel $0x88, $3  }
0x1: {  	(tag) =	ssettag $0x0;
	lr =	simm.s32 $0x1  }
0x2: {  	[smem:$0x3F9F] =	sst lr;
	_ =	strace $0xD0000000  }
0x3: {  	_ = 	snop  }
0x4: {  	_ = 	snop  }
0x5: {  	_ = 	snop  }
0x6: {  	_ = 	snop  }
0x7: {  	_ = 	snop  }
__scs_overlays_trampoline_lowered:
0x8: {  	[smem:$0x3FAE] =	sst s0  }
0x9: {  	[smem:$0x3FAF] =	sst s1  }
0xa: {  	[smem:$0x3FB0] =	sst s2  }
0xb: {  	[smem:$0x3FB1] =	sst s3  }
0xc: {  	[smem:$0x3FB2] =	sst s4  }
0xd: {  	[smem:$0x3FB3] =	sst s5  }
0xe: {  	[smem:$0x3FB4] =	sst s6  }
0xf: {  	[smem:$0x3FB5] =	sst s7  }
0x10: {  	[smem:$0x3FB6] =	sst s8  }
0x11: {  	[smem:$0x3FB7] =	sst s9;
	s0 =	simm.s32 @!p0 $0x0  }
0x12: {  	s1 =	sld [smem:$0x3F9D];
	s0 =	simm.s32 @p0 $0x1  }
0x13: {  	[smem:$0x3FB8] =	sst s0;
	s0 =	simm.s32 @!p1 $0x0  }
0x14: {  	s2 =	sld [smem:$0x3F9C];
	s0 =	simm.s32 @p1 $0x1  }
0x15: {  	[smem:$0x3FB9] =	sst s0;
	s0 =	simm.s32 @!p2 $0x0  }
0x16: {  	s3 =	sld [smem:$0x3FDB];
	s0 =	simm.s32 @p2 $0x1  }
0x17: {  	s4 =	simm.s32 $0x1BF5;
	[smem:$0x3FBB] =	sst s0  }
0x18: {  	s0 =	sld [smem:$0x3F9E];
	_ =	swait.ge [sflag:s4], $0x0  }
0x19: {  	s7 =	sld [smem:$0x3F9F]  }
0x1a: {  	s8 =	sadd.s32 $0xFFFFE003, lr  }
0x1b: {  	s9 =	sadd.s32 $0xFFFFFEF7, lr;
	s5 =	simm.s32 $0xFFFFFFFF;
	p2 =	slt.u32 s8, $0xFFFFF086  }
0x1c: {  	p1 =	slt.u32 s9, $0xF7A;
	s5 =	simm.s32 @!p2 $0x0  }
0x1d: {  	s5 =	simm.s32 @p1 $0x1;
	p0 =	seq.s32 s7, s2  }
0x1e: {  	s7 =	smul.u32 @!p0 $0xF7A, s2;
	p2 =	seq.s32 @!p0 s5, $0x0  }
0x1f: {  	s9 =	smul.u32 $0xF7A, s1;
	s8 =	simm.s32 @!p0 $0x1BF5;
	p2 =	por !p2, p0  }
0x20: {  	[sflag:s8] =	ssyncset.s32 @!p0 $0xFFFFF086;
	s6 =	sadd.s32 @!p0 s3, s7;
	s7 =	simm.s32 @!p0 $0x108  }
0x21: {  	s3 =	sadd.s32 s3, s9;
	s6 =	sadd.s32 @!p0 $0x88, s6;
	s7 =	simm.s32 @p2 $0x1082  }
0x22: {  	[simem:s7], [sflag:s8] =	dma.local @!p0 [hbm:s6], $0xF7A  }
0x23: {  	s9 =	sor.u32 $0xD0000000, s2;
	s6 =	simm.s32 $0x108;
	_ =	swait.ge @!p0 [sflag:s8], $0x0  }
0x24: {  	s3 =	sadd.s32 $0x88, s3;
	s6 =	simm.s32 @!p1 $0x1082;
	[sflag:s4] =	ssyncset.s32 $0xFFFFF086  }
0x25: {  	[simem:s6], [sflag:s4] =	dma.local [hbm:s3], $0xF7A  }
0x26: {  	[smem:$0x3F9F] =	sst s1;
	(tag) =	ssettag s2;
	_ =	strace s9  }
0x27: {  	s1 =	sld [smem:$0x3FAF]  }
0x28: {  	s2 =	sld [smem:$0x3FB0]  }
0x29: {  	s4 =	sld [smem:$0x3FB2]  }
0x2a: {  	p0 =	seq.s32 s5, $0x0;
	s5 =	sld [smem:$0x3FB3]  }
0x2b: {  	s6 =	sld [smem:$0x3FB4]  }
0x2c: {  	s7 =	sld [smem:$0x3FB5]  }
0x2d: {  	s3 =	simm.s32 $0x108;
	s8 =	sld [smem:$0x3FB6]  }
0x2e: {  	s3 =	simm.s32 @!p0 $0x1082;
	s9 =	sld [smem:$0x3FB7]  }
0x2f: {  	lr =	sadd.s32 s0, s3;
	s0 =	sld [smem:$0x3FAE]  }
0x30: {  	s3 =	sld [smem:$0x3FB1]  }
0x31: {  	[smem:$0x3FBA] =	sst s10  }
0x32: {  	s10 =	sld [smem:$0x3FB8];
	_ =	sdelay $0x3  }
0x33: {  	p0 =	seq.s32 s10, $0x1;
	s10 =	sld [smem:$0x3FBA];
	_ =	sdelay $0x3  }
0x34: {  	[smem:$0x3FBA] =	sst s10  }
0x35: {  	s10 =	sld [smem:$0x3FB9];
	_ =	sdelay $0x3  }
0x36: {  	p1 =	seq.s32 s10, $0x1;
	s10 =	sld [smem:$0x3FBA];
	_ =	sdelay $0x3  }
0x37: {  	[smem:$0x3FBA] =	sst s10  }
0x38: {  	s10 =	sld [smem:$0x3FBB]  }
0x39: {  	_ = 	snop;
	(pc) =	sbr.ind lr, $3  }
0x3a: {  	_ = 	snop  }
0x3b: {  	_ = 	snop  }
0x3c: {  	p2 =	seq.s32 s10, $0x1;
	s10 =	sld [smem:$0x3FBA]  }
0x3d: {  	_ =	shalt  }
0x3e: {  	_ =	shalt  }
0x3f: {  	_ =	shalt  }
0x40: {  	_ =	shalt  }
0x41: {  	_ =	shalt  }
0x42: {  	_ =	shalt  }
0x43: {  	_ =	shalt  }
0x44: {  	_ =	shalt  }
0x45: {  	_ =	shalt  }
0x46: {  	_ =	shalt  }
0x47: {  	_ =	shalt  }
0x48: {  	_ =	shalt  }
0x49: {  	_ =	shalt  }
0x4a: {  	_ =	shalt  }
0x4b: {  	_ =	shalt  }
0x4c: {  	_ =	shalt  }
0x4d: {  	_ =	shalt  }
0x4e: {  	_ =	shalt  }
0x4f: {  	_ =	shalt  }
0x50: {  	_ =	shalt  }
0x51: {  	_ =	shalt  }
0x52: {  	_ =	shalt  }
0x53: {  	_ =	shalt  }
0x54: {  	_ =	shalt  }
0x55: {  	_ =	shalt  }
0x56: {  	_ =	shalt  }
0x57: {  	_ =	shalt  }
0x58: {  	_ =	shalt  }
0x59: {  	_ =	shalt  }
0x5a: {  	_ =	shalt  }
0x5b: {  	_ =	shalt  }
0x5c: {  	_ =	shalt  }
0x5d: {  	_ =	shalt  }
0x5e: {  	_ =	shalt  }
0x5f: {  	_ =	shalt  }
0x60: {  	_ =	shalt  }
0x61: {  	_ =	shalt  }
0x62: {  	_ =	shalt  }
0x63: {  	_ =	shalt  }
0x64: {  	_ =	shalt  }
0x65: {  	_ =	shalt  }
0x66: {  	_ =	shalt  }
0x67: {  	_ =	shalt  }
0x68: {  	_ =	shalt  }
0x69: {  	_ =	shalt  }
0x6a: {  	_ =	shalt  }
0x6b: {  	_ =	shalt  }
0x6c: {  	_ =	shalt  }
0x6d: {  	_ =	shalt  }
0x6e: {  	_ =	shalt  }
0x6f: {  	_ =	shalt  }
0x70: {  	_ =	shalt  }
0x71: {  	_ =	shalt  }
0x72: {  	_ =	shalt  }
0x73: {  	_ =	shalt  }
0x74: {  	_ =	shalt  }
0x75: {  	_ =	shalt  }
0x76: {  	_ =	shalt  }
0x77: {  	_ =	shalt  }
0x78: {  	_ =	shalt  }
0x79: {  	_ =	shalt  }
0x7a: {  	_ =	shalt  }
0x7b: {  	_ =	shalt  }
0x7c: {  	_ =	shalt  }
0x7d: {  	_ =	shalt  }
0x7e: {  	_ =	shalt  }
0x7f: {  	_ =	shalt  }
0x80: {  	_ =	shalt  }
0x81: {  	_ =	shalt  }
0x82: {  	_ =	shalt  }
0x83: {  	_ =	shalt  }
0x84: {  	_ =	shalt  }
0x85: {  	_ =	shalt  }
0x86: {  	_ =	shalt  }
0x87: {  	_ =	shalt  }
.Lfunc_end0:
.L_simem_size_0:
called_computation_lowered:
.L_overlay_start_0:
0x88: {  	s2 =	sld [smem:$0x3FD9]  }
0x89: {  	s3 =	sld [smem:$0x3FFE];
	_ =	sdelay $0x1  }
0x8a: {  	s1 =	srdreg.scid  }
0x8b: {  	s0 =	sand.u32 $0x1, s1  }
0x8c: {  	s17 =	sshll.u32 s0, $0xA;
	s2 =	sadd.s32 s3, s2  }
0x8d: {  	s2 =	sadd.s32 s2, s17  }
0x8e: {  	[smem:$0x3FC6] =	sst s2  }
0x8f: {  	_ = 	snop  }
0x90: {  	s2 =	sld [smem:$0x3FD0];
	(tm) =	ssettm $0x1  }
0x91: {  	s18 =	sld [smem:$0x3FFB];
	_ =	sdelay $0x3  }
0x92: {  	_ =	strace s18  }
0x93: {  	s3 =	sld [smem:$0x3FFC];
	_ =	sdelay $0x3  }
0x94: {  	_ =	strace s3  }
0x95: {  	s3 =	sld [smem:$0x3FFD];
	_ =	sdelay $0x3  }
0x96: {  	_ =	strace s3  }
0x97: {  	_ =	strace $0x8FFFFFFF  }
0x98: {  	s19 =	sld [smem:$0x3FDB];
	_ =	sdelay $0x1  }
0x99: {  	s4 =	simm.s32 $_scs_section_size  }
0x9a: {  	s5 =	simm.s32 $_size__tile_overlayer_lowered;
	s6 =	simm.s32 $_tile_overlayer_lowered  }
0x9b: {  	s22 =	simm.s32 $0x1BFF;
	s21 =	sshll.u32 s6, $0x1;
	s3 =	sadd.s32 s4, s19  }
0x9c: {  	s7 =	simm.s32 $0x0;
	s20 =	sshll.u32 s5, $0x1;
	s5 =	sadd.s32 s21, s3  }
0x9d: {  	[timem:s7], [sflag:s22] =	dma.local [hbm:s5], s20  }
0x9e: {  	_ =	swait.ge [sflag:s22], s20  }
0x9f: {  	s4 =	ssub.s32 $0x0, s20;
	[sflag:s22] =	ssyncset.done $0x0  }
0xa0: {  	[sflag:s22] =	ssyncadd.s32 s4;
	_ =	sdelay $0x1  }
0xa1: {  	s23 =	simm.s32 $0x1B8B  }
0xa2: {  	_ =	swait.ge [sflag:s23], $0x1  }
0xa3: {  	[sflag:s23] =	ssyncset.done $0x0  }
0xa4: {  	s25 =	simm.s32 $0x1B8E;
	s24 =	sld [smem:$0x3FFE];
	[sflag:s23] =	ssyncadd.s32 $0xFFFFFFFF  }
0xa5: {  	s26 =	simm.s32 $execute0_lowered;
	[smem:$0x3FD2] =	sst s25  }
0xa6: {  	s5 =	sshll.u32 s26, $0x1;
	_ =	strace $0x80000046;
	[dreg:$0x1] =	wrdreg $0xFFFFFFFF  }
0xa7: {  	s28 =	simm.s32 $_size_execute0_lowered;
	s3 =	sadd.s32 s3, s5;
	[dreg:$0x0] =	wrdreg $0x0  }
0xa8: {  	s5 =	sshll.u32 s28, $0x1;
	[dreg:$0x2] =	wrdreg s3  }
0xa9: {  	[dreg:$0x3] =	wrdreg s5  }
0xaa: {  	[dreg:$0x4] =	wrdreg $0xC0  }
0xab: {  	_ =	task [dreg:s7], $0x5FFFF  }
0xac: {  	[dreg:$0x1] =	wrdreg $0xFFFFFFFF  }
0xad: {  	[dreg:$0x0] =	wrdreg $0x60  }
0xae: {  	[dreg:$0x2] =	wrdreg s24  }
0xaf: {  	[dreg:$0x3] =	wrdreg s2  }
0xb0: {  	[dreg:$0x4] =	wrdreg $0x9  }
0xb1: {  	_ =	task.clear_ibuf [dreg:s7], $0x5FFFF;
	_ =	strace $0x90000046  }
0xb2: {  	s29 =	simm.s32 $0x9;
	_ =	strace $0x80000048  }
0xb3: {  	_ =	swait.ge [sflag:s29], $0x1  }
0xb4: {  	[sflag:s29] =	ssyncadd.s32 $0xFFFFFFFF  }
0xb5: {  	_ =	strace $0x90000048  }
0xb6: {  	_ =	sfence  }
0xb7: {  	s30 =	sld [smem:$0x0];
	_ =	sdelay $0x2  }
0xb8: {  	s31 =	sshll.u32 s1, $0xD;
	s1 =	sshrl.u32 s1, $0x2  }
0xb9: {  	s3 =	sand.u32 $0x4000, s31;
	s1 =	sadd.s32 s1, s30  }
0xba: {  	s0 =	sor.u32 s3, s0;
	s1 =	sshll.u32 s1, $0x11  }
0xbb: {  	s0 =	sor.u32 s1, s0  }
0xbc: {  	s0 =	sadd.s32 $0x8F2B, s0  }
0xbd: {  	[sflag:s0] =	ssyncadd.remote.s32 $0x1  }
0xbe: {  	_ =	sfence.sel $0xFFFF  }
0xbf: {  	[dreg:$0x0] =	wrdreg $0xFFFFFFFF;
	(pc) =	sbr.abs _section_cstart, $3  }
0xc0: {  	[dreg:$0x1] =	wrdreg $0xFFFFFFFF  }
0xc1: {  	_ =	task.clear_ibuf [dreg:s7], $0x2FFFF;
	_ =	strace $0x9FFFFFFF  }
0xc2: {  	(tm) =	ssettm $0x7FFFFFFF  }
0xc3: {  	_ =	shalt  }
tec
execute0_lowered:
.L_overlay_start_1:
0x0: {  	(tag) =	ssettag $0x1  }
0x1: {  	s0 =	rddreg [dreg:$0x0]  }
0x2: {  	s1 =	rddreg [dreg:$0x1];
	s2 =	simm.s32 $0x0;
	s3 =	srdreg.scid  }
0x3: {  	s6 =	stileid.u32;
	s8 =	simm.s32 $0x3;
	s12 =	simm.s32 $0x5200  }
0x4: {  	s28 =	simm.s32 $0x59F8;
	s29 =	simm.s32 $0x5A80;
	s30 =	simm.s32 $0x5B08  }
0x5: {  	s31 =	simm.s32 $0x5B90;
	s7 =	simm.s32 $0x5D28;
	s9 =	simm.s32 $0x5DB0  }
0x6: {  	s10 =	simm.s32 $0x5E38;
	s11 =	simm.s32 $0x5EC0;
	s13 =	simm.s32 $0x6058  }
0x7: {  	s14 =	simm.s32 $0x60E0;
	s15 =	simm.s32 $0x6168;
	s16 =	simm.s32 $0x61F0  }
0x8: {  	s17 =	simm.s32 $0x6278;
	s19 =	simm.s32 $0x0;
	[smem:$0x7FF] =	sst s2  }
0x9: {  	s3 =	sand.u32 $0x1, s3;
	s4 =	sadd.s32 $0x600, s0;
	s5 =	sadd.s32 $0xF42A00, s0  }
0xa: {  	s26 =	sshll.u32 s6, $0x3;
	s6 =	simm.s32 $0x5FD0;
	s24 =	ssub.s32 $0x2, s3  }
0xb: {  	v1 =	vlaneseq.u32;
	_ =	strace $0x80000047;
	s3 =	sshll.u32 s3, $0x2;
	s25 =	sshrl.u32 s24, $0x1  }
0xc: {  	v0 =	vmul.u32 $0x88, v1;
	[dreg:$0x3] =	wrdreg s4;
	s3 =	sor.u32 s3, s26;
	s0 =	ssub.s32 s24, s25  }
0xd: {  	v1 =	vmul.u32 $0x32, v1;
	s4 =	simm.s32 $0x5F48;
	[dreg:$0x4] =	wrdreg s3;
	s0 =	smax.u32 s0, $0x1  }
0xe: {  	v2 =	vadd.s32 $0x880, v0;
	s3 =	simm.s32 $0x5CA0;
	[dreg:$0x5] =	wrdreg s0;
	s0 =	simm.s32 $0x5C18  }
.LBB2_1:
0xf: {  	[dreg:$0x6] =	wrdreg s19;
	s19 =	simm.s32 $0x0  }
.LBB2_2:
0x10: {  	s18 =	rddreg [dreg:$0x4]  }
0x11: {  	s18 =	sadd.s32 s18, s19  }
0x12: {  	[dreg:$0x7] =	wrdreg s19;
	s19 =	smul.u32 $0x320, s18  }
0x13: {  	s20 =	simm.s32 $0x0;
	s21 =	rddreg [dreg:$0x3]  }
0x14: {  	v3 =	vadd.s32 s20, v1;
	s19 =	sadd.s32 s21, s19  }
0x15: {  	[tilespmem:s20], [sflag:$0x3] =	stream.linear.gather [hbm4b:s19+s20], $0x1900, $0x38;
	[tilespmem:$0x6300] =	vst v63  }
0x16: {  	_ =	swait.ge [sflag:s8], $0x1900  }
0x17: {  	[sflag:s8] =	ssyncset.done $0x0  }
0x18: {  	[sflag:s8] =	ssyncadd.s32 $0xFFFFE700  }
0x19: {  	s20 =	simm.s32 $0x320;
	v3 =	vld.idx.msk [tilespmem:v3+s2+$0x0], $0xffff  }
0x1a: {  	v4 =	vadd.s32 s20, v1;
	_ =	sdelay $0x2  }
0x1b: {  	s19 =	simm.s32 $0x1940  }
0x1c: {  	[tilespmem:s19+$0xFFFFFFC0] =	vst v3  }
0x1d: {  	s21 =	simm.s32 $0x640;
	v3 =	vld.idx.msk [tilespmem:v4+s2+$0x0], $0xffff  }
0x1e: {  	v4 =	vadd.s32 s21, v1;
	_ =	sdelay $0x3  }
0x1f: {  	[tilespmem:s19+$0xFFFFFFD0] =	vst v3  }
0x20: {  	s22 =	simm.s32 $0x960;
	v3 =	vld.idx.msk [tilespmem:v4+s2+$0x0], $0xffff  }
0x21: {  	v4 =	vadd.s32 s22, v1;
	_ =	sdelay $0x3  }
0x22: {  	[tilespmem:s19+$0xFFFFFFE0] =	vst v3  }
0x23: {  	s23 =	simm.s32 $0xC80;
	v3 =	vld.idx.msk [tilespmem:v4+s2+$0x0], $0xffff  }
0x24: {  	v4 =	vadd.s32 s23, v1;
	_ =	sdelay $0x3  }
0x25: {  	[tilespmem:s19+$0xFFFFFFF0] =	vst v3  }
0x26: {  	s24 =	simm.s32 $0xFA0;
	v3 =	vld.idx.msk [tilespmem:v4+s2+$0x0], $0xffff  }
0x27: {  	v4 =	vadd.s32 s24, v1;
	_ =	sdelay $0x3  }
0x28: {  	[tilespmem:s19+$0x0] =	vst v3  }
0x29: {  	s25 =	simm.s32 $0x12C0;
	v3 =	vld.idx.msk [tilespmem:v4+s2+$0x0], $0xffff  }
0x2a: {  	v4 =	vadd.s32 s25, v1;
	_ =	sdelay $0x3  }
0x2b: {  	[tilespmem:s19+$0x10] =	vst v3  }
0x2c: {  	s26 =	simm.s32 $0x15E0;
	v3 =	vld.idx.msk [tilespmem:v4+s2+$0x0], $0xffff  }
0x2d: {  	v4 =	vadd.s32 s26, v1;
	_ =	sdelay $0x3  }
0x2e: {  	[tilespmem:s19+$0x20] =	vst v3  }
0x2f: {  	s20 =	simm.s32 $0x0;
	s21 =	simm.s32 $0x1;
	v3 =	vld.idx.msk [tilespmem:v4+s2+$0x0], $0xffff  }
.LBB2_3:
0x30: {  	v4 =	vadd.s32 s21, v1;
	s20 =	sadd.s32 $0x8, s20  }
0x31: {  	p0 =	slt.u32 s20, $0x188;
	_ =	sdelay $0x2  }
0x32: {  	[tilespmem:s19+$0x30] =	vst v3  }
0x33: {  	v3 =	vld.idx.msk [tilespmem:v4+s2+$0x0], $0xffff  }
0x34: {  	s22 =	sadd.s32 $0x320, s21  }
0x35: {  	v4 =	vadd.s32 s22, v1;
	_ =	sdelay $0x2  }
0x36: {  	s19 =	sadd.s32 $0x80, s19  }
0x37: {  	[tilespmem:s19+$0xFFFFFFC0] =	vst v3  }
0x38: {  	v3 =	vld.idx.msk [tilespmem:v4+s2+$0x0], $0xffff  }
0x39: {  	s22 =	sadd.s32 $0x640, s21  }
0x3a: {  	v4 =	vadd.s32 s22, v1;
	_ =	sdelay $0x3  }
0x3b: {  	[tilespmem:s19+$0xFFFFFFD0] =	vst v3  }
0x3c: {  	v3 =	vld.idx.msk [tilespmem:v4+s2+$0x0], $0xffff  }
0x3d: {  	s22 =	sadd.s32 $0x960, s21  }
0x3e: {  	v4 =	vadd.s32 s22, v1;
	_ =	sdelay $0x3  }
0x3f: {  	[tilespmem:s19+$0xFFFFFFE0] =	vst v3  }
0x40: {  	v3 =	vld.idx.msk [tilespmem:v4+s2+$0x0], $0xffff  }
0x41: {  	s22 =	sadd.s32 $0xC80, s21  }
0x42: {  	v4 =	vadd.s32 s22, v1;
	_ =	sdelay $0x3  }
0x43: {  	[tilespmem:s19+$0xFFFFFFF0] =	vst v3  }
0x44: {  	v3 =	vld.idx.msk [tilespmem:v4+s2+$0x0], $0xffff  }
0x45: {  	s22 =	sadd.s32 $0xFA0, s21  }
0x46: {  	v4 =	vadd.s32 s22, v1;
	_ =	sdelay $0x3  }
0x47: {  	[tilespmem:s19+$0x0] =	vst v3  }
0x48: {  	v3 =	vld.idx.msk [tilespmem:v4+s2+$0x0], $0xffff  }
0x49: {  	s22 =	sadd.s32 $0x12C0, s21  }
0x4a: {  	v4 =	vadd.s32 s22, v1;
	_ =	sdelay $0x3  }
0x4b: {  	[tilespmem:s19+$0x10] =	vst v3  }
0x4c: {  	v3 =	vld.idx.msk [tilespmem:v4+s2+$0x0], $0xffff  }
0x4d: {  	s22 =	sadd.s32 $0x15E0, s21  }
0x4e: {  	v4 =	vadd.s32 s22, v1;
	_ =	sdelay $0x1  }
.Ltmp0:
0x4f: {  	(pc) =	sbr.rel @p0 .LBB2_3-.Ltmp0, $4  }
0x50: {  	_ = 	snop  }
0x51: {  	[tilespmem:s19+$0x20] =	vst v3  }
0x52: {  	v3 =	vld.idx.msk [tilespmem:v4+s2+$0x0], $0xffff  }
0x53: {  	s21 =	sadd.s32 $0x1, s21  }
0x54: {  	_ =	sdelay $0x1  }
0x55: {  	s26 =	simm.s32 $0x80  }
0x56: {  	s20 =	simm.s32 $0x1900;
	s21 =	simm.s32 $0x3200;
	s18 =	sshll.u32 s18, $0x7;
	[tilespmem:s19+$0x30] =	vst v3  }
0x57: {  	[tilespmem:s21], [sflag:$0x1] =	stream.indirect.gather [hbm4b:s5+s26], $0x20, s20, s26, $0xb8;
	[tilespmem:$0x6300] =	vst v63  }
0x58: {  	p0 =	por $0x0, $0x0;
	s19 =	simm.s32 $0x0;
	s20 =	simm.s32 $0x0  }
.LBB2_5:
0x59: {  	s21 =	sadd.s32 $0x1, s20;
	p1 =	seq.s32 s20, $0x31  }
0x5a: {  	s25 =	sand.u32 $0x1, s20;
	s22 =	sand.u32 @!p1 $0x1, s21;
	s24 =	sshll.u32 @!p1 s21, $0x7  }
0x5b: {  	s26 =	simm.s32 @!p1 $0x80;
	s23 =	sshll.u32 @!p1 s22, $0xC;
	s24 =	sand.u32 @!p1 $0x3FFFFF80, s24  }
0x5c: {  	s22 =	sadd.s32 @!p1 $0x1, s22;
	s23 =	sadd.s32 @!p1 $0x3200, s23;
	s24 =	sadd.s32 @!p1 $0x1900, s24  }
0x5d: {  	[tilespmem:s23], [sflag:s22] =	stream.indirect.gather @!p1 [hbm4b:s5+s26], $0x20, s24, s26, $0xb8;
	[tilespmem:$0x6300] =	vst v63  }
0x5e: {  	s22 =	simm.s32 $0x1;
	s26 =	sadd.s32 $0x1, s25  }
0x5f: {  	s22 =	simm.s32 @!p0 $0x0;
	_ =	swait.ge [sflag:s26], $0x1000  }
0x60: {  	v3 =	vmov s19;
	s22 =	sshll.u32 s22, $0xC;
	[sflag:s26] =	ssyncset.done $0x0  }
0x61: {  	v3 =	vand.u32 $0x7C, v3;
	s22 =	sadd.s32 $0x3240, s22;
	[sflag:s26] =	ssyncadd.s32 $0xFFFFF000  }
0x62: {  	v5 =	vadd.s32 v0, v3;
	v4 =	vld [tilespmem:s22+$0xFFFFFFC0];
	_ =	sdelay $0x4  }
0x63: {  	[tilespmem:v5+s12+$0x0] =	vst.idx.msk $0xffff, v4  }
0x64: {  	v3 =	vadd.s32 v2, v3;
	v4 =	vld [tilespmem:s22+$0xFFFFFFD0];
	_ =	sdelay $0x2  }
0x65: {  	s24 =	simm.s32 $0x1  }
0x66: {  	v5 =	vmov s24  }
0x67: {  	[tilespmem:v3+s12+$0x0] =	vst.idx.msk $0xffff, v4;
	v3 =	vand.u32 $0x7D, v5  }
0x68: {  	v4 =	vld [tilespmem:s22+$0xFFFFFFE0];
	v5 =	vadd.s32 v0, v3;
	_ =	sdelay $0x4  }
0x69: {  	[tilespmem:v5+s12+$0x0] =	vst.idx.msk $0xffff, v4  }
0x6a: {  	v3 =	vadd.s32 v2, v3;
	v4 =	vld [tilespmem:s22+$0xFFFFFFF0];
	_ =	sdelay $0x2  }
0x6b: {  	s25 =	simm.s32 $0x2  }
0x6c: {  	v5 =	vmov s25  }
0x6d: {  	[tilespmem:v3+s12+$0x0] =	vst.idx.msk $0xffff, v4;
	v3 =	vand.u32 $0x7E, v5  }
0x6e: {  	v4 =	vld [tilespmem:s22+$0x0];
	v5 =	vadd.s32 v0, v3;
	_ =	sdelay $0x4  }
0x6f: {  	[tilespmem:v5+s12+$0x0] =	vst.idx.msk $0xffff, v4  }
0x70: {  	v3 =	vadd.s32 v2, v3;
	v4 =	vld [tilespmem:s22+$0x10];
	_ =	sdelay $0x2  }
0x71: {  	s26 =	simm.s32 $0x3  }
0x72: {  	v5 =	vmov s26  }
0x73: {  	[tilespmem:v3+s12+$0x0] =	vst.idx.msk $0xffff, v4;
	v4 =	vand.u32 $0x7F, v5  }
0x74: {  	v3 =	vld [tilespmem:s22+$0x20];
	v5 =	vadd.s32 v0, v4;
	_ =	sdelay $0x4  }
0x75: {  	[tilespmem:v5+s12+$0x0] =	vst.idx.msk $0xffff, v3  }
0x76: {  	v4 =	vadd.s32 v2, v4;
	v3 =	vld [tilespmem:s22+$0x30];
	_ =	sdelay $0x2  }
0x77: {  	s23 =	simm.s32 $0x0;
	s24 =	simm.s32 $0x4  }
.LBB2_6:
0x78: {  	v5 =	vmov s24;
	s23 =	sadd.s32 $0x8, s23  }
0x79: {  	s22 =	sadd.s32 $0x80, s22;
	v5 =	vand.u32 $0x7C, v5;
	p1 =	slt.u32 s23, $0xF8;
	[tilespmem:v4+s12+$0x0] =	vst.idx.msk $0xffff, v3  }
0x7a: {  	v3 =	vld [tilespmem:s22+$0xFFFFFFC0];
	v4 =	vadd.s32 v0, v5;
	_ =	sdelay $0x4  }
0x7b: {  	[tilespmem:v4+s12+$0x0] =	vst.idx.msk $0xffff, v3  }
0x7c: {  	v4 =	vadd.s32 v2, v5;
	v3 =	vld [tilespmem:s22+$0xFFFFFFD0];
	_ =	sdelay $0x2  }
0x7d: {  	s25 =	sadd.s32 $0x1, s24  }
0x7e: {  	v5 =	vmov s25  }
0x7f: {  	[tilespmem:v4+s12+$0x0] =	vst.idx.msk $0xffff, v3;
	v3 =	vand.u32 $0x7D, v5  }
0x80: {  	v4 =	vld [tilespmem:s22+$0xFFFFFFE0];
	v5 =	vadd.s32 v0, v3;
	_ =	sdelay $0x4  }
0x81: {  	[tilespmem:v5+s12+$0x0] =	vst.idx.msk $0xffff, v4  }
0x82: {  	v3 =	vadd.s32 v2, v3;
	v4 =	vld [tilespmem:s22+$0xFFFFFFF0];
	_ =	sdelay $0x2  }
0x83: {  	s25 =	sadd.s32 $0x2, s24  }
0x84: {  	v5 =	vmov s25  }
0x85: {  	[tilespmem:v3+s12+$0x0] =	vst.idx.msk $0xffff, v4;
	v3 =	vand.u32 $0x7E, v5  }
0x86: {  	v4 =	vld [tilespmem:s22+$0x0];
	v5 =	vadd.s32 v0, v3;
	_ =	sdelay $0x4  }
0x87: {  	[tilespmem:v5+s12+$0x0] =	vst.idx.msk $0xffff, v4  }
0x88: {  	v3 =	vadd.s32 v2, v3;
	v4 =	vld [tilespmem:s22+$0x10];
	_ =	sdelay $0x2  }
0x89: {  	s25 =	sadd.s32 $0x3, s24  }
0x8a: {  	v5 =	vmov s25  }
0x8b: {  	[tilespmem:v3+s12+$0x0] =	vst.idx.msk $0xffff, v4;
	v4 =	vand.u32 $0x7F, v5  }
0x8c: {  	v3 =	vld [tilespmem:s22+$0x20];
	v5 =	vadd.s32 v0, v4;
	_ =	sdelay $0x4  }
.Ltmp1:
0x8d: {  	[tilespmem:v5+s12+$0x0] =	vst.idx.msk $0xffff, v3;
	(pc) =	sbr.rel @p1 .LBB2_6-.Ltmp1, $2  }
0x8e: {  	v4 =	vadd.s32 v2, v4;
	v3 =	vld [tilespmem:s22+$0x30];
	_ =	sdelay $0x2  }
0x8f: {  	s24 =	sadd.s32 $0x4, s24  }
0x90: {  	_ =	sdelay $0x1  }
0x91: {  	s20 =	sshll.u32 s20, $0x10  }
0x92: {  	s20 =	sadd.s32 s18, s20  }
0x93: {  	[tilespmem:v4+s12+$0x0] =	vst.idx.msk $0xffff, v3;
	s22 =	sadd.s32 s1, s20  }
0x94: {  	[hbm4b:s22+s2] =	stream.linear.scatter [tilespmem:s12], [sflag:$0x3], $0x80, $0x38;
	[tilespmem:$0x6300] =	vst v63  }
0x95: {  	s24 =	simm.s32 $0x5288;
	s23 =	sadd.s32 $0x10, s22  }
0x96: {  	[hbm4b:s23+s2] =	stream.linear.scatter [tilespmem:s24], [sflag:$0x3], $0x80, $0x38;
	[tilespmem:$0x6300] =	vst v63  }
0x97: {  	s26 =	simm.s32 $0x5310;
	s25 =	sadd.s32 $0x20, s22  }
0x98: {  	[hbm4b:s25+s2] =	stream.linear.scatter [tilespmem:s26], [sflag:$0x3], $0x80, $0x38;
	[tilespmem:$0x6300] =	vst v63  }
0x99: {  	s25 =	sadd.s32 $0x30, s22;
	s26 =	simm.s32 $0x5398  }
0x9a: {  	[hbm4b:s25+s2] =	stream.linear.scatter [tilespmem:s26], [sflag:$0x3], $0x80, $0x38;
	[tilespmem:$0x6300] =	vst v63  }
0x9b: {  	s25 =	sadd.s32 $0x40, s22;
	s26 =	simm.s32 $0x5420  }
0x9c: {  	[hbm4b:s25+s2] =	stream.linear.scatter [tilespmem:s26], [sflag:$0x3], $0x80, $0x38;
	[tilespmem:$0x6300] =	vst v63  }
0x9d: {  	s25 =	sadd.s32 $0x50, s22;
	s26 =	simm.s32 $0x54A8  }
0x9e: {  	[hbm4b:s25+s2] =	stream.linear.scatter [tilespmem:s26], [sflag:$0x3], $0x80, $0x38;
	[tilespmem:$0x6300] =	vst v63  }
0x9f: {  	s24 =	sadd.s32 $0x60, s22;
	s25 =	simm.s32 $0x5530  }
0xa0: {  	[hbm4b:s24+s2] =	stream.linear.scatter [tilespmem:s25], [sflag:$0x3], $0x80, $0x38;
	[tilespmem:$0x6300] =	vst v63  }
0xa1: {  	s22 =	sadd.s32 $0x70, s22;
	s26 =	simm.s32 $0x55B8  }
0xa2: {  	[hbm4b:s22+s2] =	stream.linear.scatter [tilespmem:s26], [sflag:$0x3], $0x80, $0x38;
	[tilespmem:$0x6300] =	vst v63  }
0xa3: {  	_ =	swait.ge [sflag:s8], $0x400  }
0xa4: {  	s23 =	sor.u32 $0x4000, s20;
	[sflag:s8] =	ssyncset.done $0x0  }
0xa5: {  	s24 =	simm.s32 $0x5640;
	s22 =	sadd.s32 s1, s23;
	[sflag:s8] =	ssyncadd.s32 $0xFFFFFC00  }
0xa6: {  	[hbm4b:s22+s2] =	stream.linear.scatter [tilespmem:s24], [sflag:$0x3], $0x80, $0x38;
	[tilespmem:$0x6300] =	vst v63  }
0xa7: {  	s26 =	simm.s32 $0x56C8;
	s25 =	sadd.s32 $0x10, s22  }
0xa8: {  	[hbm4b:s25+s2] =	stream.linear.scatter [tilespmem:s26], [sflag:$0x3], $0x80, $0x38;
	[tilespmem:$0x6300] =	vst v63  }
0xa9: {  	s25 =	sadd.s32 $0x20, s22;
	s26 =	simm.s32 $0x5750  }
0xaa: {  	[hbm4b:s25+s2] =	stream.linear.scatter [tilespmem:s26], [sflag:$0x3], $0x80, $0x38;
	[tilespmem:$0x6300] =	vst v63  }
0xab: {  	s25 =	sadd.s32 $0x30, s22;
	s26 =	simm.s32 $0x57D8  }
0xac: {  	[hbm4b:s25+s2] =	stream.linear.scatter [tilespmem:s26], [sflag:$0x3], $0x80, $0x38;
	[tilespmem:$0x6300] =	vst v63  }
0xad: {  	s25 =	sadd.s32 $0x40, s22;
	s26 =	simm.s32 $0x5860  }
0xae: {  	[hbm4b:s25+s2] =	stream.linear.scatter [tilespmem:s26], [sflag:$0x3], $0x80, $0x38;
	[tilespmem:$0x6300] =	vst v63  }
0xaf: {  	s25 =	sadd.s32 $0x50, s22;
	s26 =	simm.s32 $0x58E8  }
0xb0: {  	[hbm4b:s25+s2] =	stream.linear.scatter [tilespmem:s26], [sflag:$0x3], $0x80, $0x38;
	[tilespmem:$0x6300] =	vst v63  }
0xb1: {  	s25 =	sadd.s32 $0x60, s22;
	s26 =	simm.s32 $0x5970  }
0xb2: {  	[hbm4b:s25+s2] =	stream.linear.scatter [tilespmem:s26], [sflag:$0x3], $0x80, $0x38;
	[tilespmem:$0x6300] =	vst v63  }
0xb3: {  	s22 =	sadd.s32 $0x70, s22  }
0xb4: {  	[hbm4b:s22+s2] =	stream.linear.scatter [tilespmem:s28], [sflag:$0x3], $0x80, $0x38;
	[tilespmem:$0x6300] =	vst v63  }
0xb5: {  	_ =	swait.ge [sflag:s8], $0x400  }
0xb6: {  	s24 =	sor.u32 $0x8000, s20;
	[sflag:s8] =	ssyncset.done $0x0  }
0xb7: {  	s22 =	sadd.s32 s1, s24;
	[sflag:s8] =	ssyncadd.s32 $0xFFFFFC00  }
0xb8: {  	[hbm4b:s22+s2] =	stream.linear.scatter [tilespmem:s29], [sflag:$0x3], $0x80, $0x38;
	[tilespmem:$0x6300] =	vst v63  }
0xb9: {  	s25 =	sadd.s32 $0x10, s22  }
0xba: {  	[hbm4b:s25+s2] =	stream.linear.scatter [tilespmem:s30], [sflag:$0x3], $0x80, $0x38;
	[tilespmem:$0x6300] =	vst v63  }
0xbb: {  	s26 =	sadd.s32 $0x20, s22  }
0xbc: {  	[hbm4b:s26+s2] =	stream.linear.scatter [tilespmem:s31], [sflag:$0x3], $0x80, $0x38;
	[tilespmem:$0x6300] =	vst v63  }
0xbd: {  	s24 =	sadd.s32 $0x30, s22  }
0xbe: {  	[hbm4b:s24+s2] =	stream.linear.scatter [tilespmem:s0], [sflag:$0x3], $0x80, $0x38;
	[tilespmem:$0x6300] =	vst v63  }
0xbf: {  	s25 =	sadd.s32 $0x40, s22  }
0xc0: {  	[hbm4b:s25+s2] =	stream.linear.scatter [tilespmem:s3], [sflag:$0x3], $0x80, $0x38;
	[tilespmem:$0x6300] =	vst v63  }
0xc1: {  	s26 =	sadd.s32 $0x50, s22  }
0xc2: {  	[hbm4b:s26+s2] =	stream.linear.scatter [tilespmem:s7], [sflag:$0x3], $0x80, $0x38;
	[tilespmem:$0x6300] =	vst v63  }
0xc3: {  	s24 =	sadd.s32 $0x60, s22  }
0xc4: {  	[hbm4b:s24+s2] =	stream.linear.scatter [tilespmem:s9], [sflag:$0x3], $0x80, $0x38;
	[tilespmem:$0x6300] =	vst v63  }
0xc5: {  	s22 =	sadd.s32 $0x70, s22  }
0xc6: {  	[hbm4b:s22+s2] =	stream.linear.scatter [tilespmem:s10], [sflag:$0x3], $0x80, $0x38;
	[tilespmem:$0x6300] =	vst v63  }
0xc7: {  	_ =	swait.ge [sflag:s8], $0x400  }
0xc8: {  	s20 =	sor.u32 $0xC000, s20;
	[sflag:s8] =	ssyncset.done $0x0  }
0xc9: {  	s20 =	sadd.s32 s1, s20;
	[sflag:s8] =	ssyncadd.s32 $0xFFFFFC00  }
0xca: {  	[hbm4b:s20+s2] =	stream.linear.scatter [tilespmem:s11], [sflag:$0x3], $0x80, $0x38;
	[tilespmem:$0x6300] =	vst v63  }
0xcb: {  	s25 =	sadd.s32 $0x10, s20  }
0xcc: {  	[hbm4b:s25+s2] =	stream.linear.scatter [tilespmem:s4], [sflag:$0x3], $0x80, $0x38;
	[tilespmem:$0x6300] =	vst v63  }
0xcd: {  	s26 =	sadd.s32 $0x20, s20  }
0xce: {  	[hbm4b:s26+s2] =	stream.linear.scatter [tilespmem:s6], [sflag:$0x3], $0x80, $0x38;
	[tilespmem:$0x6300] =	vst v63  }
0xcf: {  	s23 =	sadd.s32 $0x30, s20  }
0xd0: {  	[hbm4b:s23+s2] =	stream.linear.scatter [tilespmem:s13], [sflag:$0x3], $0x80, $0x38;
	[tilespmem:$0x6300] =	vst v63  }
0xd1: {  	s24 =	sadd.s32 $0x40, s20  }
0xd2: {  	[hbm4b:s24+s2] =	stream.linear.scatter [tilespmem:s14], [sflag:$0x3], $0x80, $0x38;
	[tilespmem:$0x6300] =	vst v63  }
0xd3: {  	s25 =	sadd.s32 $0x50, s20  }
0xd4: {  	[hbm4b:s25+s2] =	stream.linear.scatter [tilespmem:s15], [sflag:$0x3], $0x80, $0x38;
	[tilespmem:$0x6300] =	vst v63  }
0xd5: {  	p1 =	sne.s32 s21, $0x32;
	s26 =	sadd.s32 $0x60, s20  }
0xd6: {  	[hbm4b:s26+s2] =	stream.linear.scatter [tilespmem:s16], [sflag:$0x3], $0x80, $0x38;
	[tilespmem:$0x6300] =	vst v63  }
.Ltmp2:
0xd7: {  	s20 =	sadd.s32 $0x70, s20;
	(pc) =	sbr.rel @p1 .LBB2_5-.Ltmp2, $4  }
0xd8: {  	[hbm4b:s20+s2] =	stream.linear.scatter [tilespmem:s17], [sflag:$0x3], $0x80, $0x38;
	[tilespmem:$0x6300] =	vst v63  }
0xd9: {  	_ =	swait.ge [sflag:s8], $0x400  }
0xda: {  	[sflag:s8] =	ssyncset.done $0x0  }
0xdb: {  	p0 =	por !p0, !p0;
	s20 =	smov.u32 s21;
	[sflag:s8] =	ssyncadd.s32 $0xFFFFFC00  }
0xdc: {  	s19 =	rddreg [dreg:$0x7]  }
0xdd: {  	s19 =	sadd.s32 $0x1, s19  }
0xde: {  	p0 =	sne.s32 s19, $0x4  }
.Ltmp3:
0xdf: {  	_ = 	snop;
	(pc) =	sbr.rel @p0 .LBB2_2-.Ltmp3, $1  }
0xe0: {  	_ =	sdelay $0x3  }
0xe1: {  	s19 =	rddreg [dreg:$0x6]  }
0xe2: {  	s18 =	rddreg [dreg:$0x5];
	s19 =	sadd.s32 $0x1, s19  }
0xe3: {  	p0 =	sne.s32 s19, s18  }
.Ltmp4:
0xe4: {  	_ = 	snop;
	(pc) =	sbr.rel @p0 .LBB2_1-.Ltmp4, $1  }
0xe5: {  	_ =	sdelay $0x3  }
0xe6: {  	_ =	sfence.sel $0x180000  }
0xe7: {  	[bflag:$0x0] =	sbarrier.arrive $0xFFFF  }
0xe8: {  	_ =	strace $0x90000047  }
0xe9: {  	s0 =	stileid.u32;
	[bflag:$0x2] =	sbarrier.arrive $0xFFFF  }
0xea: {  	p0 =	sne.s32 s0, $0x0;
	s0 =	rddreg [dreg:$0x2]  }
0xeb: {  	s0 =	sadd.s32 @!p0 $0x100000, s0  }
0xec: {  	[sflag:s0] =	ssyncadd.tile.s32 @!p0 $0x1;
	_ =	shalt  }
.Lfunc_end2:
_tile_overlayer_lowered:
.L_overlay_start_2:
0xed: {  	(tag) =	ssettag $0x2  }
0xee: {  	s0 =	rddreg [dreg:$0x0];
	s2 =	stileid.u32  }
0xef: {  	s1 =	rddreg [dreg:$0x1];
	p0 =	sne.s32 s2, $0x0  }
0xf0: {  	s3 =	rddreg [dreg:$0x2];
	[bflag:$0x3] =	sbarrier.arrive $0xFFFF;
	s2 =	simm.s32 @!p0 $0x1C03  }
0xf1: {  	[timem:s3], [sflag:s2] =	dma.local @!p0 [hbm:s0], s1  }
0xf2: {  	s0 =	simm.s32 @!p0 $0x3  }
0xf3: {  	_ =	swait.ge @!p0 [sflag:s0], s1  }
0xf4: {  	s1 =	ssub.s32 @!p0 $0x0, s1;
	[sflag:s0] =	ssyncset.done @!p0 $0x0  }
0xf5: {  	[sflag:s0] =	ssyncadd.s32 @!p0 s1  }
0xf6: {  	[bflag:$0x3] =	sbarrier.arrive $0xFFFF  }
0xf7: {  	_ =	shalt  }

</sc_bundles>
